<compile_context>
chip_gen: v7x
topology: tpu7x:2x2x1
jax: 0.10.2.dev20260603
libtpu: 0.0.44.dev20260713+nightly
codegen_flags: <defaults>
</compile_context>

<pallas_src>
import functools

import jax
import jax.numpy as jnp
from jax import lax
from jax.experimental import pallas as pl
from jax.experimental.pallas import tpu as pltpu
from jax.experimental.pallas import tpu_sc as plsc

NC = 2
NS = 16
NW = NC * NS
LANES = 16
D = 128
CHUNK = 80


def _edge_b_kernel(x_ref, w_ref, o_ref):
    o_ref[...] = jnp.dot(x_ref[...], w_ref[...],
                         preferred_element_type=jnp.float32)


def _node_g_kernel(h_ref, w_ref, o_ref):
    o_ref[...] = jnp.dot(h_ref[...], w_ref[...],
                         preferred_element_type=jnp.float32)


def _final_kernel(h_ref, agg_ref, w2_ref, o_ref):
    a = agg_ref[0] + agg_ref[1]
    y = (jnp.dot(h_ref[...], w2_ref[:D, :], preferred_element_type=jnp.float32)
         + jnp.dot(a, w2_ref[D:, :], preferred_element_type=jnp.float32))
    o_ref[...] = jnp.maximum(y, 0.0) + h_ref[...]


def _sc_edge_kernel(n_pad, epw, src_hbm, dst_hbm, g_hbm, b_hbm, out_hbm,
                    src_v, dst_v, g_v, b_v, agg_sh, sem):
    cid = lax.axis_index("c")
    sid = lax.axis_index("s")
    wid = sid * NC + cid
    rows_per_tile = n_pad // NS

    def zero_row(i, carry):
        for j in range(D // LANES):
            g_v[i, pl.ds(j * LANES, LANES)] = jnp.zeros((LANES,), jnp.float32)
        return carry
    lax.fori_loop(0, CHUNK, zero_row, 0)
    for j in range(rows_per_tile // CHUNK):
        pltpu.sync_copy(g_v, agg_sh.at[pl.ds(sid * rows_per_tile + j * CHUNK,
                                             CHUNK)])
    plsc.subcore_barrier()

    nchunks = epw // CHUNK

    def chunk_body(c, carry):
        base = pl.multiple_of(wid * epw + c * CHUNK, 8)
        pltpu.sync_copy(src_hbm.at[pl.ds(base, CHUNK)], src_v)
        pltpu.sync_copy(dst_hbm.at[pl.ds(base, CHUNK)], dst_v)
        gather = pltpu.async_copy(g_hbm.at[src_v], g_v, sem)
        pltpu.sync_copy(b_hbm.at[pl.ds(base, CHUNK)], b_v)
        gather.wait()

        def row_body(i, inner):
            for j in range(D // LANES):
                sl = pl.ds(j * LANES, LANES)
                g_v[i, sl] = jnp.maximum(g_v[i, sl] + b_v[i, sl], 0.0)
            return inner
        lax.fori_loop(0, CHUNK, row_body, 0)

        pltpu.sync_copy(g_v, agg_sh.at[dst_v], add=True)
        return carry

    lax.fori_loop(0, nchunks, chunk_body, 0)
    plsc.subcore_barrier()

    r0 = sid * rows_per_tile
    pltpu.sync_copy(agg_sh.at[pl.ds(r0, rows_per_tile)],
                    out_hbm.at[cid, pl.ds(r0, rows_per_tile)])


def kernel(H, idx, X_e, W1, W2):
    n_nodes = H.shape[0]
    n_edges = X_e.shape[0]
    epw = n_edges // NW
    n_pad = ((n_nodes + 639) // 640) * 640

    src = idx[0].astype(jnp.int32)
    dst = idx[1].astype(jnp.int32)

    g_mat = pl.pallas_call(
        _node_g_kernel,
        out_shape=jax.ShapeDtypeStruct((n_nodes, D), jnp.float32),
    )(H, W1[:D])

    eb = 4000
    b_mat = pl.pallas_call(
        _edge_b_kernel,
        grid=(n_edges // eb,),
        in_specs=[
            pl.BlockSpec((eb, X_e.shape[1]), lambda i: (i, 0)),
            pl.BlockSpec((X_e.shape[1], D), lambda i: (0, 0)),
        ],
        out_specs=pl.BlockSpec((eb, D), lambda i: (i, 0)),
        out_shape=jax.ShapeDtypeStruct((n_edges, D), jnp.float32),
    )(X_e, W1[D:])

    sc_edge = functools.partial(_sc_edge_kernel, n_pad, epw)
    agg2 = pl.kernel(
        sc_edge,
        out_type=jax.ShapeDtypeStruct((NC, n_pad, D), jnp.float32),
        mesh=plsc.VectorSubcoreMesh(core_axis_name="c", subcore_axis_name="s",
                                    num_cores=NC, num_subcores=NS),
        scratch_types=[
            pltpu.VMEM((CHUNK,), jnp.int32),
            pltpu.VMEM((CHUNK,), jnp.int32),
            pltpu.VMEM((CHUNK, D), jnp.float32),
            pltpu.VMEM((CHUNK, D), jnp.float32),
            pltpu.VMEM_SHARED((n_pad, D), jnp.float32),
            pltpu.SemaphoreType.DMA,
        ],
    )(src, dst, g_mat, b_mat)

    nb = 2000
    out = pl.pallas_call(
        _final_kernel,
        grid=(n_nodes // nb,),
        in_specs=[
            pl.BlockSpec((nb, D), lambda i: (i, 0)),
            pl.BlockSpec((NC, nb, D), lambda i: (0, i, 0)),
            pl.BlockSpec((2 * D, D), lambda i: (0, 0)),
        ],
        out_specs=pl.BlockSpec((nb, D), lambda i: (i, 0)),
        out_shape=jax.ShapeDtypeStruct((n_nodes, D), jnp.float32),
    )(H, agg2[:, :n_nodes], W2)

    return out

# --- scband reference (transcript-rebuilt; emitter-appended) ---
"""Pipeline reference for scband-gnn-layer-2422361555230 (READ-ONLY COPY).

The authoritative reference and input builder live on the scoring server;
editing this copy changes nothing except your own understanding.
"""

import jax, jax.numpy as jnp
import numpy as np

N_NODES = 10000
N_EDGES = 320000
D_FEAT = 128
D_EDGE = 16
DIM_IN = D_FEAT + D_EDGE  # 144
HIDDEN = 128
HIDDEN2 = D_FEAT + HIDDEN  # 256


def setup_inputs(seed: int = 0) -> dict:
    key = jax.random.key(seed)
    k1, k2, k3, k4, k5 = jax.random.split(key, 5)
    H = jax.random.normal(k1, (N_NODES, D_FEAT), dtype=jnp.float32)
    idx = jax.random.randint(k2, (2, N_EDGES), 0, N_NODES, dtype=jnp.int64 if jax.config.jax_enable_x64 else jnp.int32)
    X_e = jax.random.normal(k3, (N_EDGES, D_EDGE), dtype=jnp.float32)
    # kaiming_normal_ (fan_in mode, relu gain): std = sqrt(2 / fan_in), fan_in = size(1)
    W1 = jax.random.normal(k4, (DIM_IN, HIDDEN), dtype=jnp.float32) * np.sqrt(2.0 / HIDDEN)
    W2 = jax.random.normal(k5, (HIDDEN2, HIDDEN), dtype=jnp.float32) * np.sqrt(2.0 / HIDDEN)
    return {"H": H, "idx": idx, "X_e": X_e, "W1": W1, "W2": W2}


def reference(H, idx, X_e, W1, W2):
    # x = cat(H[src], X_e)
    x = jnp.concatenate([jnp.take(H, idx[0], axis=0), X_e], axis=1)
    y = jnp.matmul(x, W1)
    y = jax.nn.relu(y)
    # scatter_sum over destination nodes
    y = jax.ops.segment_sum(y, idx[1], num_segments=H.shape[0])
    y = jnp.concatenate([H, y], axis=1)
    y = jnp.matmul(y, W2)
    y = jax.nn.relu(y)
    # residual connection
    y = y + H
    return y

if __name__ == "__main__":
    import jax
    _d = setup_inputs()
    print(jax.jit(kernel)(*tuple(_d.values())))

</pallas_src>

<mosaic_0001>
#map = affine_map<(d0, d1) -> (0)>
#map1 = affine_map<(d0, d1) -> (0, 0)>
#map2 = affine_map<(d0, d1) -> (0, 0, 0)>
module attributes {stable_mosaic.version = 14 : i64} {
  func.func @_sc_edge_kernel(%arg0: i32, %arg1: i32, %arg2: memref<320000xi32, #tpu.memory_space<hbm>>, %arg3: memref<320000xi32, #tpu.memory_space<hbm>>, %arg4: memref<10000x128xf32, #tpu.memory_space<hbm>>, %arg5: memref<320000x128xf32, #tpu.memory_space<hbm>>, %arg6: memref<2x10240x128xf32, #tpu.memory_space<hbm>>, %arg7: memref<80xi32, #tpu.memory_space<vmem>>, %arg8: memref<80xi32, #tpu.memory_space<vmem>>, %arg9: memref<80x128xf32, #tpu.memory_space<vmem>>, %arg10: memref<80x128xf32, #tpu.memory_space<vmem>>, %arg11: memref<10240x128xf32, #tpu.memory_space<vmem_shared>>, %arg12: memref<!tpu.dma_semaphore, #tpu.memory_space<semaphore_mem>>) attributes {dimension_semantics = [#tpu.dimension_semantics<core_parallel>, #tpu.dimension_semantics<subcore_parallel>], iteration_bounds = array<i64: 2, 16>, scalar_prefetch = 0 : i64, scratch_operands = 6 : i64, tpu.core_type = #tpu.core_type<sc_vector_subcore>, window_params = [{transform_indices = #map}, {transform_indices = #map}, {transform_indices = #map1}, {transform_indices = #map1}, {transform_indices = #map2}]} {
    %mul3A = arith.constant 2 : i32
    %mul3A_0 = arith.muli %arg1, %mul3A : i32
    %add3A = arith.addi %mul3A_0, %arg0 : i32
    %scan3A = arith.constant 0 : i32
    %scan3A_1 = arith.constant 0 : i32
    %scan3A_2 = arith.constant 80 : i32
    %scan3A_3 = arith.addi %scan3A_1, %scan3A_2 : i32
    %scan3A_4 = arith.constant 1 : i32
    scf.for %scan3A_47 = %scan3A_1 to %scan3A_3 step %scan3A_4  : i32 {
      %broadcast_in_dim3A = arith.constant 0.000000e+00 : f32
      %broadcast_in_dim3A_48 = vector.broadcast %broadcast_in_dim3A : f32 to vector<16xf32>
      %swap3A = arith.index_cast %scan3A_47 : i32 to index
      %swap3A_49 = arith.constant 0 : index
      %swap3A_50 = tpu.vector_load %arg9[%swap3A, %swap3A_49] {strides = array<i32>} : memref<80x128xf32, #tpu.memory_space<vmem>>, vector<1x16xf32>,
      %swap3A_51 = vector.shape_cast %swap3A_50 : vector<1x16xf32> to vector<16xf32>
      %swap3A_52 = vector.shape_cast %broadcast_in_dim3A_48 : vector<16xf32> to vector<1x16xf32>
      tpu.vector_store %arg9[%swap3A, %swap3A_49], %swap3A_52 {strides = array<i32>} : memref<80x128xf32, #tpu.memory_space<vmem>>, vector<1x16xf32>,
      %broadcast_in_dim3A_53 = arith.constant 0.000000e+00 : f32
      %broadcast_in_dim3A_54 = vector.broadcast %broadcast_in_dim3A_53 : f32 to vector<16xf32>
      %swap3A_55 = arith.index_cast %scan3A_47 : i32 to index
      %swap3A_56 = arith.constant 16 : index
      %swap3A_57 = tpu.vector_load %arg9[%swap3A_55, %swap3A_56] {strides = array<i32>} : memref<80x128xf32, #tpu.memory_space<vmem>>, vector<1x16xf32>,
      %swap3A_58 = vector.shape_cast %swap3A_57 : vector<1x16xf32> to vector<16xf32>
      %swap3A_59 = vector.shape_cast %broadcast_in_dim3A_54 : vector<16xf32> to vector<1x16xf32>
      tpu.vector_store %arg9[%swap3A_55, %swap3A_56], %swap3A_59 {strides = array<i32>} : memref<80x128xf32, #tpu.memory_space<vmem>>, vector<1x16xf32>,
      %broadcast_in_dim3A_60 = arith.constant 0.000000e+00 : f32
      %broadcast_in_dim3A_61 = vector.broadcast %broadcast_in_dim3A_60 : f32 to vector<16xf32>
      %swap3A_62 = arith.index_cast %scan3A_47 : i32 to index
      %swap3A_63 = arith.constant 32 : index
      %swap3A_64 = tpu.vector_load %arg9[%swap3A_62, %swap3A_63] {strides = array<i32>} : memref<80x128xf32, #tpu.memory_space<vmem>>, vector<1x16xf32>,
      %swap3A_65 = vector.shape_cast %swap3A_64 : vector<1x16xf32> to vector<16xf32>
      %swap3A_66 = vector.shape_cast %broadcast_in_dim3A_61 : vector<16xf32> to vector<1x16xf32>
      tpu.vector_store %arg9[%swap3A_62, %swap3A_63], %swap3A_66 {strides = array<i32>} : memref<80x128xf32, #tpu.memory_space<vmem>>, vector<1x16xf32>,
      %broadcast_in_dim3A_67 = arith.constant 0.000000e+00 : f32
      %broadcast_in_dim3A_68 = vector.broadcast %broadcast_in_dim3A_67 : f32 to vector<16xf32>
      %swap3A_69 = arith.index_cast %scan3A_47 : i32 to index
      %swap3A_70 = arith.constant 48 : index
      %swap3A_71 = tpu.vector_load %arg9[%swap3A_69, %swap3A_70] {strides = array<i32>} : memref<80x128xf32, #tpu.memory_space<vmem>>, vector<1x16xf32>,
      %swap3A_72 = vector.shape_cast %swap3A_71 : vector<1x16xf32> to vector<16xf32>
      %swap3A_73 = vector.shape_cast %broadcast_in_dim3A_68 : vector<16xf32> to vector<1x16xf32>
      tpu.vector_store %arg9[%swap3A_69, %swap3A_70], %swap3A_73 {strides = array<i32>} : memref<80x128xf32, #tpu.memory_space<vmem>>, vector<1x16xf32>,
      %broadcast_in_dim3A_74 = arith.constant 0.000000e+00 : f32
      %broadcast_in_dim3A_75 = vector.broadcast %broadcast_in_dim3A_74 : f32 to vector<16xf32>
      %swap3A_76 = arith.index_cast %scan3A_47 : i32 to index
      %swap3A_77 = arith.constant 64 : index
      %swap3A_78 = tpu.vector_load %arg9[%swap3A_76, %swap3A_77] {strides = array<i32>} : memref<80x128xf32, #tpu.memory_space<vmem>>, vector<1x16xf32>,
      %swap3A_79 = vector.shape_cast %swap3A_78 : vector<1x16xf32> to vector<16xf32>
      %swap3A_80 = vector.shape_cast %broadcast_in_dim3A_75 : vector<16xf32> to vector<1x16xf32>
      tpu.vector_store %arg9[%swap3A_76, %swap3A_77], %swap3A_80 {strides = array<i32>} : memref<80x128xf32, #tpu.memory_space<vmem>>, vector<1x16xf32>,
      %broadcast_in_dim3A_81 = arith.constant 0.000000e+00 : f32
      %broadcast_in_dim3A_82 = vector.broadcast %broadcast_in_dim3A_81 : f32 to vector<16xf32>
      %swap3A_83 = arith.index_cast %scan3A_47 : i32 to index
      %swap3A_84 = arith.constant 80 : index
      %swap3A_85 = tpu.vector_load %arg9[%swap3A_83, %swap3A_84] {strides = array<i32>} : memref<80x128xf32, #tpu.memory_space<vmem>>, vector<1x16xf32>,
      %swap3A_86 = vector.shape_cast %swap3A_85 : vector<1x16xf32> to vector<16xf32>
      %swap3A_87 = vector.shape_cast %broadcast_in_dim3A_82 : vector<16xf32> to vector<1x16xf32>
      tpu.vector_store %arg9[%swap3A_83, %swap3A_84], %swap3A_87 {strides = array<i32>} : memref<80x128xf32, #tpu.memory_space<vmem>>, vector<1x16xf32>,
      %broadcast_in_dim3A_88 = arith.constant 0.000000e+00 : f32
      %broadcast_in_dim3A_89 = vector.broadcast %broadcast_in_dim3A_88 : f32 to vector<16xf32>
      %swap3A_90 = arith.index_cast %scan3A_47 : i32 to index
      %swap3A_91 = arith.constant 96 : index
      %swap3A_92 = tpu.vector_load %arg9[%swap3A_90, %swap3A_91] {strides = array<i32>} : memref<80x128xf32, #tpu.memory_space<vmem>>, vector<1x16xf32>,
      %swap3A_93 = vector.shape_cast %swap3A_92 : vector<1x16xf32> to vector<16xf32>
      %swap3A_94 = vector.shape_cast %broadcast_in_dim3A_89 : vector<16xf32> to vector<1x16xf32>
      tpu.vector_store %arg9[%swap3A_90, %swap3A_91], %swap3A_94 {strides = array<i32>} : memref<80x128xf32, #tpu.memory_space<vmem>>, vector<1x16xf32>,
      %broadcast_in_dim3A_95 = arith.constant 0.000000e+00 : f32
      %broadcast_in_dim3A_96 = vector.broadcast %broadcast_in_dim3A_95 : f32 to vector<16xf32>
      %swap3A_97 = arith.index_cast %scan3A_47 : i32 to index
      %swap3A_98 = arith.constant 112 : index
      %swap3A_99 = tpu.vector_load %arg9[%swap3A_97, %swap3A_98] {strides = array<i32>} : memref<80x128xf32, #tpu.memory_space<vmem>>, vector<1x16xf32>,
      %swap3A_100 = vector.shape_cast %swap3A_99 : vector<1x16xf32> to vector<16xf32>
      %swap3A_101 = vector.shape_cast %broadcast_in_dim3A_96 : vector<16xf32> to vector<1x16xf32>
      tpu.vector_store %arg9[%swap3A_97, %swap3A_98], %swap3A_101 {strides = array<i32>} : memref<80x128xf32, #tpu.memory_space<vmem>>, vector<1x16xf32>,
    }
    %scan3A_5 = arith.constant 80 : i32
    %mul3A_6 = arith.constant 640 : i32
    %mul3A_7 = arith.muli %arg1, %mul3A_6 : i32
    %add3A_8 = arith.constant 0 : i32
    %add3A_9 = arith.addi %mul3A_7, %add3A_8 : i32
    "tpu.region"() ({
      %run_scoped3A = tpu.sem_alloc : memref<!tpu.dma_semaphore, #tpu.memory_space<semaphore_mem>>
      %dma_start3A = arith.constant 0 : i32
      %dma_start3A_47 = tpu.memref_slice %arg11[%add3A_9, %dma_start3A] : memref<10240x128xf32, #tpu.memory_space<vmem_shared>> -> memref<80x128xf32, #tpu.memory_space<vmem_shared>>
      %dma_start3A_48 = arith.constant 0 : i32
      %dma_start3A_49 = tpu.memref_slice %arg11[%add3A_9, %dma_start3A_48] : memref<10240x128xf32, #tpu.memory_space<vmem_shared>> -> memref<80x128xf32, #tpu.memory_space<vmem_shared>>
      tpu.enqueue_dma source(%arg9 : memref<80x128xf32, #tpu.memory_space<vmem>>) target(%dma_start3A_49 : memref<80x128xf32, #tpu.memory_space<vmem_shared>>) target_semaphore(%run_scoped3A : memref<!tpu.dma_semaphore, #tpu.memory_space<semaphore_mem>>)
      %dma_wait3A = arith.constant 0 : i32
      %dma_wait3A_50 = tpu.memref_slice %arg11[%add3A_9, %dma_wait3A] : memref<10240x128xf32, #tpu.memory_space<vmem_shared>> -> memref<80x128xf32, #tpu.memory_space<vmem_shared>>
      %dma_wait3A_51 = arith.constant 0 : i32
      %dma_wait3A_52 = tpu.memref_slice %arg11[%add3A_9, %dma_wait3A_51] : memref<10240x128xf32, #tpu.memory_space<vmem_shared>> -> memref<80x128xf32, #tpu.memory_space<vmem_shared>>
      tpu.wait_dma2 semaphore(%run_scoped3A : memref<!tpu.dma_semaphore, #tpu.memory_space<semaphore_mem>>) src(%arg9 : memref<80x128xf32, #tpu.memory_space<vmem>>) dst(%dma_wait3A_52 : memref<80x128xf32, #tpu.memory_space<vmem_shared>>)
      tpu.yield
    }) : () -> ()
    %mul3A_10 = arith.constant 640 : i32
    %mul3A_11 = arith.muli %arg1, %mul3A_10 : i32
    %add3A_12 = arith.constant 80 : i32
    %add3A_13 = arith.addi %mul3A_11, %add3A_12 : i32
    "tpu.region"() ({
      %run_scoped3A = tpu.sem_alloc : memref<!tpu.dma_semaphore, #tpu.memory_space<semaphore_mem>>
      %dma_start3A = arith.constant 0 : i32
      %dma_start3A_47 = tpu.memref_slice %arg11[%add3A_13, %dma_start3A] : memref<10240x128xf32, #tpu.memory_space<vmem_shared>> -> memref<80x128xf32, #tpu.memory_space<vmem_shared>>
      %dma_start3A_48 = arith.constant 0 : i32
      %dma_start3A_49 = tpu.memref_slice %arg11[%add3A_13, %dma_start3A_48] : memref<10240x128xf32, #tpu.memory_space<vmem_shared>> -> memref<80x128xf32, #tpu.memory_space<vmem_shared>>
      tpu.enqueue_dma source(%arg9 : memref<80x128xf32, #tpu.memory_space<vmem>>) target(%dma_start3A_49 : memref<80x128xf32, #tpu.memory_space<vmem_shared>>) target_semaphore(%run_scoped3A : memref<!tpu.dma_semaphore, #tpu.memory_space<semaphore_mem>>)
      %dma_wait3A = arith.constant 0 : i32
      %dma_wait3A_50 = tpu.memref_slice %arg11[%add3A_13, %dma_wait3A] : memref<10240x128xf32, #tpu.memory_space<vmem_shared>> -> memref<80x128xf32, #tpu.memory_space<vmem_shared>>
      %dma_wait3A_51 = arith.constant 0 : i32
      %dma_wait3A_52 = tpu.memref_slice %arg11[%add3A_13, %dma_wait3A_51] : memref<10240x128xf32, #tpu.memory_space<vmem_shared>> -> memref<80x128xf32, #tpu.memory_space<vmem_shared>>
      tpu.wait_dma2 semaphore(%run_scoped3A : memref<!tpu.dma_semaphore, #tpu.memory_space<semaphore_mem>>) src(%arg9 : memref<80x128xf32, #tpu.memory_space<vmem>>) dst(%dma_wait3A_52 : memref<80x128xf32, #tpu.memory_space<vmem_shared>>)
      tpu.yield
    }) : () -> ()
    %mul3A_14 = arith.constant 640 : i32
    %mul3A_15 = arith.muli %arg1, %mul3A_14 : i32
    %add3A_16 = arith.constant 160 : i32
    %add3A_17 = arith.addi %mul3A_15, %add3A_16 : i32
    "tpu.region"() ({
      %run_scoped3A = tpu.sem_alloc : memref<!tpu.dma_semaphore, #tpu.memory_space<semaphore_mem>>
      %dma_start3A = arith.constant 0 : i32
      %dma_start3A_47 = tpu.memref_slice %arg11[%add3A_17, %dma_start3A] : memref<10240x128xf32, #tpu.memory_space<vmem_shared>> -> memref<80x128xf32, #tpu.memory_space<vmem_shared>>
      %dma_start3A_48 = arith.constant 0 : i32
      %dma_start3A_49 = tpu.memref_slice %arg11[%add3A_17, %dma_start3A_48] : memref<10240x128xf32, #tpu.memory_space<vmem_shared>> -> memref<80x128xf32, #tpu.memory_space<vmem_shared>>
      tpu.enqueue_dma source(%arg9 : memref<80x128xf32, #tpu.memory_space<vmem>>) target(%dma_start3A_49 : memref<80x128xf32, #tpu.memory_space<vmem_shared>>) target_semaphore(%run_scoped3A : memref<!tpu.dma_semaphore, #tpu.memory_space<semaphore_mem>>)
      %dma_wait3A = arith.constant 0 : i32
      %dma_wait3A_50 = tpu.memref_slice %arg11[%add3A_17, %dma_wait3A] : memref<10240x128xf32, #tpu.memory_space<vmem_shared>> -> memref<80x128xf32, #tpu.memory_space<vmem_shared>>
      %dma_wait3A_51 = arith.constant 0 : i32
      %dma_wait3A_52 = tpu.memref_slice %arg11[%add3A_17, %dma_wait3A_51] : memref<10240x128xf32, #tpu.memory_space<vmem_shared>> -> memref<80x128xf32, #tpu.memory_space<vmem_shared>>
      tpu.wait_dma2 semaphore(%run_scoped3A : memref<!tpu.dma_semaphore, #tpu.memory_space<semaphore_mem>>) src(%arg9 : memref<80x128xf32, #tpu.memory_space<vmem>>) dst(%dma_wait3A_52 : memref<80x128xf32, #tpu.memory_space<vmem_shared>>)
      tpu.yield
    }) : () -> ()
    %mul3A_18 = arith.constant 640 : i32
    %mul3A_19 = arith.muli %arg1, %mul3A_18 : i32
    %add3A_20 = arith.constant 240 : i32
    %add3A_21 = arith.addi %mul3A_19, %add3A_20 : i32
    "tpu.region"() ({
      %run_scoped3A = tpu.sem_alloc : memref<!tpu.dma_semaphore, #tpu.memory_space<semaphore_mem>>
      %dma_start3A = arith.constant 0 : i32
      %dma_start3A_47 = tpu.memref_slice %arg11[%add3A_21, %dma_start3A] : memref<10240x128xf32, #tpu.memory_space<vmem_shared>> -> memref<80x128xf32, #tpu.memory_space<vmem_shared>>
      %dma_start3A_48 = arith.constant 0 : i32
      %dma_start3A_49 = tpu.memref_slice %arg11[%add3A_21, %dma_start3A_48] : memref<10240x128xf32, #tpu.memory_space<vmem_shared>> -> memref<80x128xf32, #tpu.memory_space<vmem_shared>>
      tpu.enqueue_dma source(%arg9 : memref<80x128xf32, #tpu.memory_space<vmem>>) target(%dma_start3A_49 : memref<80x128xf32, #tpu.memory_space<vmem_shared>>) target_semaphore(%run_scoped3A : memref<!tpu.dma_semaphore, #tpu.memory_space<semaphore_mem>>)
      %dma_wait3A = arith.constant 0 : i32
      %dma_wait3A_50 = tpu.memref_slice %arg11[%add3A_21, %dma_wait3A] : memref<10240x128xf32, #tpu.memory_space<vmem_shared>> -> memref<80x128xf32, #tpu.memory_space<vmem_shared>>
      %dma_wait3A_51 = arith.constant 0 : i32
      %dma_wait3A_52 = tpu.memref_slice %arg11[%add3A_21, %dma_wait3A_51] : memref<10240x128xf32, #tpu.memory_space<vmem_shared>> -> memref<80x128xf32, #tpu.memory_space<vmem_shared>>
      tpu.wait_dma2 semaphore(%run_scoped3A : memref<!tpu.dma_semaphore, #tpu.memory_space<semaphore_mem>>) src(%arg9 : memref<80x128xf32, #tpu.memory_space<vmem>>) dst(%dma_wait3A_52 : memref<80x128xf32, #tpu.memory_space<vmem_shared>>)
      tpu.yield
    }) : () -> ()
    %mul3A_22 = arith.constant 640 : i32
    %mul3A_23 = arith.muli %arg1, %mul3A_22 : i32
    %add3A_24 = arith.constant 320 : i32
    %add3A_25 = arith.addi %mul3A_23, %add3A_24 : i32
    "tpu.region"() ({
      %run_scoped3A = tpu.sem_alloc : memref<!tpu.dma_semaphore, #tpu.memory_space<semaphore_mem>>
      %dma_start3A = arith.constant 0 : i32
      %dma_start3A_47 = tpu.memref_slice %arg11[%add3A_25, %dma_start3A] : memref<10240x128xf32, #tpu.memory_space<vmem_shared>> -> memref<80x128xf32, #tpu.memory_space<vmem_shared>>
      %dma_start3A_48 = arith.constant 0 : i32
      %dma_start3A_49 = tpu.memref_slice %arg11[%add3A_25, %dma_start3A_48] : memref<10240x128xf32, #tpu.memory_space<vmem_shared>> -> memref<80x128xf32, #tpu.memory_space<vmem_shared>>
      tpu.enqueue_dma source(%arg9 : memref<80x128xf32, #tpu.memory_space<vmem>>) target(%dma_start3A_49 : memref<80x128xf32, #tpu.memory_space<vmem_shared>>) target_semaphore(%run_scoped3A : memref<!tpu.dma_semaphore, #tpu.memory_space<semaphore_mem>>)
      %dma_wait3A = arith.constant 0 : i32
      %dma_wait3A_50 = tpu.memref_slice %arg11[%add3A_25, %dma_wait3A] : memref<10240x128xf32, #tpu.memory_space<vmem_shared>> -> memref<80x128xf32, #tpu.memory_space<vmem_shared>>
      %dma_wait3A_51 = arith.constant 0 : i32
      %dma_wait3A_52 = tpu.memref_slice %arg11[%add3A_25, %dma_wait3A_51] : memref<10240x128xf32, #tpu.memory_space<vmem_shared>> -> memref<80x128xf32, #tpu.memory_space<vmem_shared>>
      tpu.wait_dma2 semaphore(%run_scoped3A : memref<!tpu.dma_semaphore, #tpu.memory_space<semaphore_mem>>) src(%arg9 : memref<80x128xf32, #tpu.memory_space<vmem>>) dst(%dma_wait3A_52 : memref<80x128xf32, #tpu.memory_space<vmem_shared>>)
      tpu.yield
    }) : () -> ()
    %mul3A_26 = arith.constant 640 : i32
    %mul3A_27 = arith.muli %arg1, %mul3A_26 : i32
    %add3A_28 = arith.constant 400 : i32
    %add3A_29 = arith.addi %mul3A_27, %add3A_28 : i32
    "tpu.region"() ({
      %run_scoped3A = tpu.sem_alloc : memref<!tpu.dma_semaphore, #tpu.memory_space<semaphore_mem>>
      %dma_start3A = arith.constant 0 : i32
      %dma_start3A_47 = tpu.memref_slice %arg11[%add3A_29, %dma_start3A] : memref<10240x128xf32, #tpu.memory_space<vmem_shared>> -> memref<80x128xf32, #tpu.memory_space<vmem_shared>>
      %dma_start3A_48 = arith.constant 0 : i32
      %dma_start3A_49 = tpu.memref_slice %arg11[%add3A_29, %dma_start3A_48] : memref<10240x128xf32, #tpu.memory_space<vmem_shared>> -> memref<80x128xf32, #tpu.memory_space<vmem_shared>>
      tpu.enqueue_dma source(%arg9 : memref<80x128xf32, #tpu.memory_space<vmem>>) target(%dma_start3A_49 : memref<80x128xf32, #tpu.memory_space<vmem_shared>>) target_semaphore(%run_scoped3A : memref<!tpu.dma_semaphore, #tpu.memory_space<semaphore_mem>>)
      %dma_wait3A = arith.constant 0 : i32
      %dma_wait3A_50 = tpu.memref_slice %arg11[%add3A_29, %dma_wait3A] : memref<10240x128xf32, #tpu.memory_space<vmem_shared>> -> memref<80x128xf32, #tpu.memory_space<vmem_shared>>
      %dma_wait3A_51 = arith.constant 0 : i32
      %dma_wait3A_52 = tpu.memref_slice %arg11[%add3A_29, %dma_wait3A_51] : memref<10240x128xf32, #tpu.memory_space<vmem_shared>> -> memref<80x128xf32, #tpu.memory_space<vmem_shared>>
      tpu.wait_dma2 semaphore(%run_scoped3A : memref<!tpu.dma_semaphore, #tpu.memory_space<semaphore_mem>>) src(%arg9 : memref<80x128xf32, #tpu.memory_space<vmem>>) dst(%dma_wait3A_52 : memref<80x128xf32, #tpu.memory_space<vmem_shared>>)
      tpu.yield
    }) : () -> ()
    %mul3A_30 = arith.constant 640 : i32
    %mul3A_31 = arith.muli %arg1, %mul3A_30 : i32
    %add3A_32 = arith.constant 480 : i32
    %add3A_33 = arith.addi %mul3A_31, %add3A_32 : i32
    "tpu.region"() ({
      %run_scoped3A = tpu.sem_alloc : memref<!tpu.dma_semaphore, #tpu.memory_space<semaphore_mem>>
      %dma_start3A = arith.constant 0 : i32
      %dma_start3A_47 = tpu.memref_slice %arg11[%add3A_33, %dma_start3A] : memref<10240x128xf32, #tpu.memory_space<vmem_shared>> -> memref<80x128xf32, #tpu.memory_space<vmem_shared>>
      %dma_start3A_48 = arith.constant 0 : i32
      %dma_start3A_49 = tpu.memref_slice %arg11[%add3A_33, %dma_start3A_48] : memref<10240x128xf32, #tpu.memory_space<vmem_shared>> -> memref<80x128xf32, #tpu.memory_space<vmem_shared>>
      tpu.enqueue_dma source(%arg9 : memref<80x128xf32, #tpu.memory_space<vmem>>) target(%dma_start3A_49 : memref<80x128xf32, #tpu.memory_space<vmem_shared>>) target_semaphore(%run_scoped3A : memref<!tpu.dma_semaphore, #tpu.memory_space<semaphore_mem>>)
      %dma_wait3A = arith.constant 0 : i32
      %dma_wait3A_50 = tpu.memref_slice %arg11[%add3A_33, %dma_wait3A] : memref<10240x128xf32, #tpu.memory_space<vmem_shared>> -> memref<80x128xf32, #tpu.memory_space<vmem_shared>>
      %dma_wait3A_51 = arith.constant 0 : i32
      %dma_wait3A_52 = tpu.memref_slice %arg11[%add3A_33, %dma_wait3A_51] : memref<10240x128xf32, #tpu.memory_space<vmem_shared>> -> memref<80x128xf32, #tpu.memory_space<vmem_shared>>
      tpu.wait_dma2 semaphore(%run_scoped3A : memref<!tpu.dma_semaphore, #tpu.memory_space<semaphore_mem>>) src(%arg9 : memref<80x128xf32, #tpu.memory_space<vmem>>) dst(%dma_wait3A_52 : memref<80x128xf32, #tpu.memory_space<vmem_shared>>)
      tpu.yield
    }) : () -> ()
    %mul3A_34 = arith.constant 640 : i32
    %mul3A_35 = arith.muli %arg1, %mul3A_34 : i32
    %add3A_36 = arith.constant 560 : i32
    %add3A_37 = arith.addi %mul3A_35, %add3A_36 : i32
    "tpu.region"() ({
      %run_scoped3A = tpu.sem_alloc : memref<!tpu.dma_semaphore, #tpu.memory_space<semaphore_mem>>
      %dma_start3A = arith.constant 0 : i32
      %dma_start3A_47 = tpu.memref_slice %arg11[%add3A_37, %dma_start3A] : memref<10240x128xf32, #tpu.memory_space<vmem_shared>> -> memref<80x128xf32, #tpu.memory_space<vmem_shared>>
      %dma_start3A_48 = arith.constant 0 : i32
      %dma_start3A_49 = tpu.memref_slice %arg11[%add3A_37, %dma_start3A_48] : memref<10240x128xf32, #tpu.memory_space<vmem_shared>> -> memref<80x128xf32, #tpu.memory_space<vmem_shared>>
      tpu.enqueue_dma source(%arg9 : memref<80x128xf32, #tpu.memory_space<vmem>>) target(%dma_start3A_49 : memref<80x128xf32, #tpu.memory_space<vmem_shared>>) target_semaphore(%run_scoped3A : memref<!tpu.dma_semaphore, #tpu.memory_space<semaphore_mem>>)
      %dma_wait3A = arith.constant 0 : i32
      %dma_wait3A_50 = tpu.memref_slice %arg11[%add3A_37, %dma_wait3A] : memref<10240x128xf32, #tpu.memory_space<vmem_shared>> -> memref<80x128xf32, #tpu.memory_space<vmem_shared>>
      %dma_wait3A_51 = arith.constant 0 : i32
      %dma_wait3A_52 = tpu.memref_slice %arg11[%add3A_37, %dma_wait3A_51] : memref<10240x128xf32, #tpu.memory_space<vmem_shared>> -> memref<80x128xf32, #tpu.memory_space<vmem_shared>>
      tpu.wait_dma2 semaphore(%run_scoped3A : memref<!tpu.dma_semaphore, #tpu.memory_space<semaphore_mem>>) src(%arg9 : memref<80x128xf32, #tpu.memory_space<vmem>>) dst(%dma_wait3A_52 : memref<80x128xf32, #tpu.memory_space<vmem_shared>>)
      tpu.yield
    }) : () -> ()
    %barrier3A = arith.constant 0 : index
    tpu.barrier barrier_id(%barrier3A)
    %scan3A_38 = arith.constant 0 : i32
    %scan3A_39 = arith.constant 0 : i32
    %scan3A_40 = arith.constant 125 : i32
    %scan3A_41 = arith.addi %scan3A_39, %scan3A_40 : i32
    %scan3A_42 = arith.constant 1 : i32
    scf.for %scan3A_47 = %scan3A_39 to %scan3A_41 step %scan3A_42  : i32 {
      %mul3A_48 = arith.constant 10000 : i32
      %mul3A_49 = arith.muli %add3A, %mul3A_48 : i32
      %mul3A_50 = arith.constant 80 : i32
      %mul3A_51 = arith.muli %scan3A_47, %mul3A_50 : i32
      %add3A_52 = arith.addi %mul3A_49, %mul3A_51 : i32
      %multiple_of3A = tpu.assume_multiple %add3A_52, 8 : i32
      "tpu.region"() ({
        %run_scoped3A = tpu.sem_alloc : memref<!tpu.dma_semaphore, #tpu.memory_space<semaphore_mem>>
        %dma_start3A_63 = tpu.memref_slice %arg2[%multiple_of3A] : memref<320000xi32, #tpu.memory_space<hbm>> -> memref<80xi32, #tpu.memory_space<hbm>>
        %dma_start3A_64 = tpu.memref_slice %arg2[%multiple_of3A] : memref<320000xi32, #tpu.memory_space<hbm>> -> memref<80xi32, #tpu.memory_space<hbm>>
        tpu.enqueue_dma source(%dma_start3A_64 : memref<80xi32, #tpu.memory_space<hbm>>) target(%arg7 : memref<80xi32, #tpu.memory_space<vmem>>) target_semaphore(%run_scoped3A : memref<!tpu.dma_semaphore, #tpu.memory_space<semaphore_mem>>)
        %dma_wait3A_65 = tpu.memref_slice %arg2[%multiple_of3A] : memref<320000xi32, #tpu.memory_space<hbm>> -> memref<80xi32, #tpu.memory_space<hbm>>
        %dma_wait3A_66 = tpu.memref_slice %arg2[%multiple_of3A] : memref<320000xi32, #tpu.memory_space<hbm>> -> memref<80xi32, #tpu.memory_space<hbm>>
        tpu.wait_dma2 semaphore(%run_scoped3A : memref<!tpu.dma_semaphore, #tpu.memory_space<semaphore_mem>>) src(%dma_wait3A_66 : memref<80xi32, #tpu.memory_space<hbm>>) dst(%arg7 : memref<80xi32, #tpu.memory_space<vmem>>)
        tpu.yield
      }) : () -> ()
      "tpu.region"() ({
        %run_scoped3A = tpu.sem_alloc : memref<!tpu.dma_semaphore, #tpu.memory_space<semaphore_mem>>
        %dma_start3A_63 = tpu.memref_slice %arg3[%multiple_of3A] : memref<320000xi32, #tpu.memory_space<hbm>> -> memref<80xi32, #tpu.memory_space<hbm>>
        %dma_start3A_64 = tpu.memref_slice %arg3[%multiple_of3A] : memref<320000xi32, #tpu.memory_space<hbm>> -> memref<80xi32, #tpu.memory_space<hbm>>
        tpu.enqueue_dma source(%dma_start3A_64 : memref<80xi32, #tpu.memory_space<hbm>>) target(%arg8 : memref<80xi32, #tpu.memory_space<vmem>>) target_semaphore(%run_scoped3A : memref<!tpu.dma_semaphore, #tpu.memory_space<semaphore_mem>>)
        %dma_wait3A_65 = tpu.memref_slice %arg3[%multiple_of3A] : memref<320000xi32, #tpu.memory_space<hbm>> -> memref<80xi32, #tpu.memory_space<hbm>>
        %dma_wait3A_66 = tpu.memref_slice %arg3[%multiple_of3A] : memref<320000xi32, #tpu.memory_space<hbm>> -> memref<80xi32, #tpu.memory_space<hbm>>
        tpu.wait_dma2 semaphore(%run_scoped3A : memref<!tpu.dma_semaphore, #tpu.memory_space<semaphore_mem>>) src(%dma_wait3A_66 : memref<80xi32, #tpu.memory_space<hbm>>) dst(%arg8 : memref<80xi32, #tpu.memory_space<vmem>>)
        tpu.yield
      }) : () -> ()
      %dma_start3A = arith.constant 0 : i32
      %dma_start3A_53 = arith.constant 0 : i32
      %dma_start3A_54 = tpu.memref_slice %arg4[%dma_start3A, %dma_start3A_53] : memref<10000x128xf32, #tpu.memory_space<hbm>> -> memref<10000x128xf32, #tpu.memory_space<hbm>>
      tpu.enqueue_indirect_dma source(%dma_start3A_54 : memref<10000x128xf32, #tpu.memory_space<hbm>>) target(%arg9 : memref<80x128xf32, #tpu.memory_space<vmem>>) offsets(%arg7 : memref<80xi32, #tpu.memory_space<vmem>>) semaphore(%arg12 : memref<!tpu.dma_semaphore, #tpu.memory_space<semaphore_mem>>)
      "tpu.region"() ({
        %run_scoped3A = tpu.sem_alloc : memref<!tpu.dma_semaphore, #tpu.memory_space<semaphore_mem>>
        %dma_start3A_63 = arith.constant 0 : i32
        %dma_start3A_64 = tpu.memref_slice %arg5[%multiple_of3A, %dma_start3A_63] : memref<320000x128xf32, #tpu.memory_space<hbm>> -> memref<80x128xf32, #tpu.memory_space<hbm>>
        %dma_start3A_65 = arith.constant 0 : i32
        %dma_start3A_66 = tpu.memref_slice %arg5[%multiple_of3A, %dma_start3A_65] : memref<320000x128xf32, #tpu.memory_space<hbm>> -> memref<80x128xf32, #tpu.memory_space<hbm>>
        tpu.enqueue_dma source(%dma_start3A_66 : memref<80x128xf32, #tpu.memory_space<hbm>>) target(%arg10 : memref<80x128xf32, #tpu.memory_space<vmem>>) target_semaphore(%run_scoped3A : memref<!tpu.dma_semaphore, #tpu.memory_space<semaphore_mem>>)
        %dma_wait3A_67 = arith.constant 0 : i32
        %dma_wait3A_68 = tpu.memref_slice %arg5[%multiple_of3A, %dma_wait3A_67] : memref<320000x128xf32, #tpu.memory_space<hbm>> -> memref<80x128xf32, #tpu.memory_space<hbm>>
        %dma_wait3A_69 = arith.constant 0 : i32
        %dma_wait3A_70 = tpu.memref_slice %arg5[%multiple_of3A, %dma_wait3A_69] : memref<320000x128xf32, #tpu.memory_space<hbm>> -> memref<80x128xf32, #tpu.memory_space<hbm>>
        tpu.wait_dma2 semaphore(%run_scoped3A : memref<!tpu.dma_semaphore, #tpu.memory_space<semaphore_mem>>) src(%dma_wait3A_70 : memref<80x128xf32, #tpu.memory_space<hbm>>) dst(%arg10 : memref<80x128xf32, #tpu.memory_space<vmem>>)
        tpu.yield
      }) : () -> ()
      %dma_wait3A = arith.constant 0 : i32
      %dma_wait3A_55 = arith.constant 0 : i32
      %dma_wait3A_56 = tpu.memref_slice %arg4[%dma_wait3A, %dma_wait3A_55] : memref<10000x128xf32, #tpu.memory_space<hbm>> -> memref<10000x128xf32, #tpu.memory_space<hbm>>
      tpu.wait_indirect_dma semaphore(%arg12 : memref<!tpu.dma_semaphore, #tpu.memory_space<semaphore_mem>>) src(%dma_wait3A_56 : memref<10000x128xf32, #tpu.memory_space<hbm>>) dst(%arg9 : memref<80x128xf32, #tpu.memory_space<vmem>>)
      %scan3A_57 = arith.constant 0 : i32
      %scan3A_58 = arith.constant 0 : i32
      %scan3A_59 = arith.constant 80 : i32
      %scan3A_60 = arith.addi %scan3A_58, %scan3A_59 : i32
      %scan3A_61 = arith.constant 1 : i32
      scf.for %scan3A_63 = %scan3A_58 to %scan3A_60 step %scan3A_61  : i32 {
        %get3A = arith.index_cast %scan3A_63 : i32 to index
        %get3A_64 = arith.constant 0 : index
        %get3A_65 = tpu.vector_load %arg9[%get3A, %get3A_64] {strides = array<i32>} : memref<80x128xf32, #tpu.memory_space<vmem>>, vector<1x16xf32>,
        %get3A_66 = vector.shape_cast %get3A_65 : vector<1x16xf32> to vector<16xf32>
        %get3A_67 = arith.index_cast %scan3A_63 : i32 to index
        %get3A_68 = arith.constant 0 : index
        %get3A_69 = tpu.vector_load %arg10[%get3A_67, %get3A_68] {strides = array<i32>} : memref<80x128xf32, #tpu.memory_space<vmem>>, vector<1x16xf32>,
        %get3A_70 = vector.shape_cast %get3A_69 : vector<1x16xf32> to vector<16xf32>
        %add3A_71 = arith.addf %get3A_66, %get3A_70 : vector<16xf32>
        %max3A = arith.constant 0.000000e+00 : f32
        %max3A_72 = vector.broadcast %max3A : f32 to vector<16xf32>
        %max3A_73 = arith.maximumf %add3A_71, %max3A_72 : vector<16xf32>
        %swap3A = arith.index_cast %scan3A_63 : i32 to index
        %swap3A_74 = arith.constant 0 : index
        %swap3A_75 = tpu.vector_load %arg9[%swap3A, %swap3A_74] {strides = array<i32>} : memref<80x128xf32, #tpu.memory_space<vmem>>, vector<1x16xf32>,
        %swap3A_76 = vector.shape_cast %swap3A_75 : vector<1x16xf32> to vector<16xf32>
        %swap3A_77 = vector.shape_cast %max3A_73 : vector<16xf32> to vector<1x16xf32>
        tpu.vector_store %arg9[%swap3A, %swap3A_74], %swap3A_77 {strides = array<i32>} : memref<80x128xf32, #tpu.memory_space<vmem>>, vector<1x16xf32>,
        %get3A_78 = arith.index_cast %scan3A_63 : i32 to index
        %get3A_79 = arith.constant 16 : index
        %get3A_80 = tpu.vector_load %arg9[%get3A_78, %get3A_79] {strides = array<i32>} : memref<80x128xf32, #tpu.memory_space<vmem>>, vector<1x16xf32>,
        %get3A_81 = vector.shape_cast %get3A_80 : vector<1x16xf32> to vector<16xf32>
        %get3A_82 = arith.index_cast %scan3A_63 : i32 to index
        %get3A_83 = arith.constant 16 : index
        %get3A_84 = tpu.vector_load %arg10[%get3A_82, %get3A_83] {strides = array<i32>} : memref<80x128xf32, #tpu.memory_space<vmem>>, vector<1x16xf32>,
        %get3A_85 = vector.shape_cast %get3A_84 : vector<1x16xf32> to vector<16xf32>
        %add3A_86 = arith.addf %get3A_81, %get3A_85 : vector<16xf32>
        %max3A_87 = arith.constant 0.000000e+00 : f32
        %max3A_88 = vector.broadcast %max3A_87 : f32 to vector<16xf32>
        %max3A_89 = arith.maximumf %add3A_86, %max3A_88 : vector<16xf32>
        %swap3A_90 = arith.index_cast %scan3A_63 : i32 to index
        %swap3A_91 = arith.constant 16 : index
        %swap3A_92 = tpu.vector_load %arg9[%swap3A_90, %swap3A_91] {strides = array<i32>} : memref<80x128xf32, #tpu.memory_space<vmem>>, vector<1x16xf32>,
        %swap3A_93 = vector.shape_cast %swap3A_92 : vector<1x16xf32> to vector<16xf32>
        %swap3A_94 = vector.shape_cast %max3A_89 : vector<16xf32> to vector<1x16xf32>
        tpu.vector_store %arg9[%swap3A_90, %swap3A_91], %swap3A_94 {strides = array<i32>} : memref<80x128xf32, #tpu.memory_space<vmem>>, vector<1x16xf32>,
        %get3A_95 = arith.index_cast %scan3A_63 : i32 to index
        %get3A_96 = arith.constant 32 : index
        %get3A_97 = tpu.vector_load %arg9[%get3A_95, %get3A_96] {strides = array<i32>} : memref<80x128xf32, #tpu.memory_space<vmem>>, vector<1x16xf32>,
        %get3A_98 = vector.shape_cast %get3A_97 : vector<1x16xf32> to vector<16xf32>
        %get3A_99 = arith.index_cast %scan3A_63 : i32 to index
        %get3A_100 = arith.constant 32 : index
        %get3A_101 = tpu.vector_load %arg10[%get3A_99, %get3A_100] {strides = array<i32>} : memref<80x128xf32, #tpu.memory_space<vmem>>, vector<1x16xf32>,
        %get3A_102 = vector.shape_cast %get3A_101 : vector<1x16xf32> to vector<16xf32>
        %add3A_103 = arith.addf %get3A_98, %get3A_102 : vector<16xf32>
        %max3A_104 = arith.constant 0.000000e+00 : f32
        %max3A_105 = vector.broadcast %max3A_104 : f32 to vector<16xf32>
        %max3A_106 = arith.maximumf %add3A_103, %max3A_105 : vector<16xf32>
        %swap3A_107 = arith.index_cast %scan3A_63 : i32 to index
        %swap3A_108 = arith.constant 32 : index
        %swap3A_109 = tpu.vector_load %arg9[%swap3A_107, %swap3A_108] {strides = array<i32>} : memref<80x128xf32, #tpu.memory_space<vmem>>, vector<1x16xf32>,
        %swap3A_110 = vector.shape_cast %swap3A_109 : vector<1x16xf32> to vector<16xf32>
        %swap3A_111 = vector.shape_cast %max3A_106 : vector<16xf32> to vector<1x16xf32>
        tpu.vector_store %arg9[%swap3A_107, %swap3A_108], %swap3A_111 {strides = array<i32>} : memref<80x128xf32, #tpu.memory_space<vmem>>, vector<1x16xf32>,
        %get3A_112 = arith.index_cast %scan3A_63 : i32 to index
        %get3A_113 = arith.constant 48 : index
        %get3A_114 = tpu.vector_load %arg9[%get3A_112, %get3A_113] {strides = array<i32>} : memref<80x128xf32, #tpu.memory_space<vmem>>, vector<1x16xf32>,
        %get3A_115 = vector.shape_cast %get3A_114 : vector<1x16xf32> to vector<16xf32>
        %get3A_116 = arith.index_cast %scan3A_63 : i32 to index
        %get3A_117 = arith.constant 48 : index
        %get3A_118 = tpu.vector_load %arg10[%get3A_116, %get3A_117] {strides = array<i32>} : memref<80x128xf32, #tpu.memory_space<vmem>>, vector<1x16xf32>,
        %get3A_119 = vector.shape_cast %get3A_118 : vector<1x16xf32> to vector<16xf32>
        %add3A_120 = arith.addf %get3A_115, %get3A_119 : vector<16xf32>
        %max3A_121 = arith.constant 0.000000e+00 : f32
        %max3A_122 = vector.broadcast %max3A_121 : f32 to vector<16xf32>
        %max3A_123 = arith.maximumf %add3A_120, %max3A_122 : vector<16xf32>
        %swap3A_124 = arith.index_cast %scan3A_63 : i32 to index
        %swap3A_125 = arith.constant 48 : index
        %swap3A_126 = tpu.vector_load %arg9[%swap3A_124, %swap3A_125] {strides = array<i32>} : memref<80x128xf32, #tpu.memory_space<vmem>>, vector<1x16xf32>,
        %swap3A_127 = vector.shape_cast %swap3A_126 : vector<1x16xf32> to vector<16xf32>
        %swap3A_128 = vector.shape_cast %max3A_123 : vector<16xf32> to vector<1x16xf32>
        tpu.vector_store %arg9[%swap3A_124, %swap3A_125], %swap3A_128 {strides = array<i32>} : memref<80x128xf32, #tpu.memory_space<vmem>>, vector<1x16xf32>,
        %get3A_129 = arith.index_cast %scan3A_63 : i32 to index
        %get3A_130 = arith.constant 64 : index
        %get3A_131 = tpu.vector_load %arg9[%get3A_129, %get3A_130] {strides = array<i32>} : memref<80x128xf32, #tpu.memory_space<vmem>>, vector<1x16xf32>,
        %get3A_132 = vector.shape_cast %get3A_131 : vector<1x16xf32> to vector<16xf32>
        %get3A_133 = arith.index_cast %scan3A_63 : i32 to index
        %get3A_134 = arith.constant 64 : index
        %get3A_135 = tpu.vector_load %arg10[%get3A_133, %get3A_134] {strides = array<i32>} : memref<80x128xf32, #tpu.memory_space<vmem>>, vector<1x16xf32>,
        %get3A_136 = vector.shape_cast %get3A_135 : vector<1x16xf32> to vector<16xf32>
        %add3A_137 = arith.addf %get3A_132, %get3A_136 : vector<16xf32>
        %max3A_138 = arith.constant 0.000000e+00 : f32
        %max3A_139 = vector.broadcast %max3A_138 : f32 to vector<16xf32>
        %max3A_140 = arith.maximumf %add3A_137, %max3A_139 : vector<16xf32>
        %swap3A_141 = arith.index_cast %scan3A_63 : i32 to index
        %swap3A_142 = arith.constant 64 : index
        %swap3A_143 = tpu.vector_load %arg9[%swap3A_141, %swap3A_142] {strides = array<i32>} : memref<80x128xf32, #tpu.memory_space<vmem>>, vector<1x16xf32>,
        %swap3A_144 = vector.shape_cast %swap3A_143 : vector<1x16xf32> to vector<16xf32>
        %swap3A_145 = vector.shape_cast %max3A_140 : vector<16xf32> to vector<1x16xf32>
        tpu.vector_store %arg9[%swap3A_141, %swap3A_142], %swap3A_145 {strides = array<i32>} : memref<80x128xf32, #tpu.memory_space<vmem>>, vector<1x16xf32>,
        %get3A_146 = arith.index_cast %scan3A_63 : i32 to index
        %get3A_147 = arith.constant 80 : index
        %get3A_148 = tpu.vector_load %arg9[%get3A_146, %get3A_147] {strides = array<i32>} : memref<80x128xf32, #tpu.memory_space<vmem>>, vector<1x16xf32>,
        %get3A_149 = vector.shape_cast %get3A_148 : vector<1x16xf32> to vector<16xf32>
        %get3A_150 = arith.index_cast %scan3A_63 : i32 to index
        %get3A_151 = arith.constant 80 : index
        %get3A_152 = tpu.vector_load %arg10[%get3A_150, %get3A_151] {strides = array<i32>} : memref<80x128xf32, #tpu.memory_space<vmem>>, vector<1x16xf32>,
        %get3A_153 = vector.shape_cast %get3A_152 : vector<1x16xf32> to vector<16xf32>
        %add3A_154 = arith.addf %get3A_149, %get3A_153 : vector<16xf32>
        %max3A_155 = arith.constant 0.000000e+00 : f32
        %max3A_156 = vector.broadcast %max3A_155 : f32 to vector<16xf32>
        %max3A_157 = arith.maximumf %add3A_154, %max3A_156 : vector<16xf32>
        %swap3A_158 = arith.index_cast %scan3A_63 : i32 to index
        %swap3A_159 = arith.constant 80 : index
        %swap3A_160 = tpu.vector_load %arg9[%swap3A_158, %swap3A_159] {strides = array<i32>} : memref<80x128xf32, #tpu.memory_space<vmem>>, vector<1x16xf32>,
        %swap3A_161 = vector.shape_cast %swap3A_160 : vector<1x16xf32> to vector<16xf32>
        %swap3A_162 = vector.shape_cast %max3A_157 : vector<16xf32> to vector<1x16xf32>
        tpu.vector_store %arg9[%swap3A_158, %swap3A_159], %swap3A_162 {strides = array<i32>} : memref<80x128xf32, #tpu.memory_space<vmem>>, vector<1x16xf32>,
        %get3A_163 = arith.index_cast %scan3A_63 : i32 to index
        %get3A_164 = arith.constant 96 : index
        %get3A_165 = tpu.vector_load %arg9[%get3A_163, %get3A_164] {strides = array<i32>} : memref<80x128xf32, #tpu.memory_space<vmem>>, vector<1x16xf32>,
        %get3A_166 = vector.shape_cast %get3A_165 : vector<1x16xf32> to vector<16xf32>
        %get3A_167 = arith.index_cast %scan3A_63 : i32 to index
        %get3A_168 = arith.constant 96 : index
        %get3A_169 = tpu.vector_load %arg10[%get3A_167, %get3A_168] {strides = array<i32>} : memref<80x128xf32, #tpu.memory_space<vmem>>, vector<1x16xf32>,
        %get3A_170 = vector.shape_cast %get3A_169 : vector<1x16xf32> to vector<16xf32>
        %add3A_171 = arith.addf %get3A_166, %get3A_170 : vector<16xf32>
        %max3A_172 = arith.constant 0.000000e+00 : f32
        %max3A_173 = vector.broadcast %max3A_172 : f32 to vector<16xf32>
        %max3A_174 = arith.maximumf %add3A_171, %max3A_173 : vector<16xf32>
        %swap3A_175 = arith.index_cast %scan3A_63 : i32 to index
        %swap3A_176 = arith.constant 96 : index
        %swap3A_177 = tpu.vector_load %arg9[%swap3A_175, %swap3A_176] {strides = array<i32>} : memref<80x128xf32, #tpu.memory_space<vmem>>, vector<1x16xf32>,
        %swap3A_178 = vector.shape_cast %swap3A_177 : vector<1x16xf32> to vector<16xf32>
        %swap3A_179 = vector.shape_cast %max3A_174 : vector<16xf32> to vector<1x16xf32>
        tpu.vector_store %arg9[%swap3A_175, %swap3A_176], %swap3A_179 {strides = array<i32>} : memref<80x128xf32, #tpu.memory_space<vmem>>, vector<1x16xf32>,
        %get3A_180 = arith.index_cast %scan3A_63 : i32 to index
        %get3A_181 = arith.constant 112 : index
        %get3A_182 = tpu.vector_load %arg9[%get3A_180, %get3A_181] {strides = array<i32>} : memref<80x128xf32, #tpu.memory_space<vmem>>, vector<1x16xf32>,
        %get3A_183 = vector.shape_cast %get3A_182 : vector<1x16xf32> to vector<16xf32>
        %get3A_184 = arith.index_cast %scan3A_63 : i32 to index
        %get3A_185 = arith.constant 112 : index
        %get3A_186 = tpu.vector_load %arg10[%get3A_184, %get3A_185] {strides = array<i32>} : memref<80x128xf32, #tpu.memory_space<vmem>>, vector<1x16xf32>,
        %get3A_187 = vector.shape_cast %get3A_186 : vector<1x16xf32> to vector<16xf32>
        %add3A_188 = arith.addf %get3A_183, %get3A_187 : vector<16xf32>
        %max3A_189 = arith.constant 0.000000e+00 : f32
        %max3A_190 = vector.broadcast %max3A_189 : f32 to vector<16xf32>
        %max3A_191 = arith.maximumf %add3A_188, %max3A_190 : vector<16xf32>
        %swap3A_192 = arith.index_cast %scan3A_63 : i32 to index
        %swap3A_193 = arith.constant 112 : index
        %swap3A_194 = tpu.vector_load %arg9[%swap3A_192, %swap3A_193] {strides = array<i32>} : memref<80x128xf32, #tpu.memory_space<vmem>>, vector<1x16xf32>,
        %swap3A_195 = vector.shape_cast %swap3A_194 : vector<1x16xf32> to vector<16xf32>
        %swap3A_196 = vector.shape_cast %max3A_191 : vector<16xf32> to vector<1x16xf32>
        tpu.vector_store %arg9[%swap3A_192, %swap3A_193], %swap3A_196 {strides = array<i32>} : memref<80x128xf32, #tpu.memory_space<vmem>>, vector<1x16xf32>,
      }
      %scan3A_62 = arith.constant 80 : i32
      "tpu.region"() ({
        %run_scoped3A = tpu.sem_alloc : memref<!tpu.dma_semaphore, #tpu.memory_space<semaphore_mem>>
        %dma_start3A_63 = arith.constant 0 : i32
        %dma_start3A_64 = arith.constant 0 : i32
        %dma_start3A_65 = tpu.memref_slice %arg11[%dma_start3A_63, %dma_start3A_64] : memref<10240x128xf32, #tpu.memory_space<vmem_shared>> -> memref<10240x128xf32, #tpu.memory_space<vmem_shared>>
        tpu.enqueue_indirect_dma source(%arg9 : memref<80x128xf32, #tpu.memory_space<vmem>>) target(%dma_start3A_65 : memref<10240x128xf32, #tpu.memory_space<vmem_shared>>) offsets(%arg8 : memref<80xi32, #tpu.memory_space<vmem>>) semaphore(%run_scoped3A : memref<!tpu.dma_semaphore, #tpu.memory_space<semaphore_mem>>) {add = true}
        %dma_wait3A_66 = arith.constant 0 : i32
        %dma_wait3A_67 = arith.constant 0 : i32
        %dma_wait3A_68 = tpu.memref_slice %arg11[%dma_wait3A_66, %dma_wait3A_67] : memref<10240x128xf32, #tpu.memory_space<vmem_shared>> -> memref<10240x128xf32, #tpu.memory_space<vmem_shared>>
        tpu.wait_indirect_dma semaphore(%run_scoped3A : memref<!tpu.dma_semaphore, #tpu.memory_space<semaphore_mem>>) src(%arg9 : memref<80x128xf32, #tpu.memory_space<vmem>>) dst(%dma_wait3A_68 : memref<10240x128xf32, #tpu.memory_space<vmem_shared>>)
        tpu.yield
      }) : () -> ()
    }
    %scan3A_43 = arith.constant 125 : i32
    %barrier3A_44 = arith.constant 0 : index
    tpu.barrier barrier_id(%barrier3A_44)
    %mul3A_45 = arith.constant 640 : i32
    %mul3A_46 = arith.muli %arg1, %mul3A_45 : i32
    "tpu.region"() ({
      %run_scoped3A = tpu.sem_alloc : memref<!tpu.dma_semaphore, #tpu.memory_space<semaphore_mem>>
      %dma_start3A = arith.constant 0 : i32
      %dma_start3A_47 = tpu.memref_slice %arg6[%arg0, %mul3A_46, %dma_start3A] : memref<2x10240x128xf32, #tpu.memory_space<hbm>> -> memref<1x640x128xf32, #tpu.memory_space<hbm>>
      %dma_start3A_48 = tpu.memref_squeeze %dma_start3A_47 : memref<1x640x128xf32, #tpu.memory_space<hbm>> -> memref<640x128xf32, #tpu.memory_space<hbm>>
      %dma_start3A_49 = arith.constant 0 : i32
      %dma_start3A_50 = tpu.memref_slice %arg11[%mul3A_46, %dma_start3A_49] : memref<10240x128xf32, #tpu.memory_space<vmem_shared>> -> memref<640x128xf32, #tpu.memory_space<vmem_shared>>
      tpu.enqueue_dma source(%dma_start3A_50 : memref<640x128xf32, #tpu.memory_space<vmem_shared>>) target(%dma_start3A_48 : memref<640x128xf32, #tpu.memory_space<hbm>>) target_semaphore(%run_scoped3A : memref<!tpu.dma_semaphore, #tpu.memory_space<semaphore_mem>>)
      %dma_wait3A = arith.constant 0 : i32
      %dma_wait3A_51 = tpu.memref_slice %arg6[%arg0, %mul3A_46, %dma_wait3A] : memref<2x10240x128xf32, #tpu.memory_space<hbm>> -> memref<1x640x128xf32, #tpu.memory_space<hbm>>
      %dma_wait3A_52 = tpu.memref_squeeze %dma_wait3A_51 : memref<1x640x128xf32, #tpu.memory_space<hbm>> -> memref<640x128xf32, #tpu.memory_space<hbm>>
      %dma_wait3A_53 = arith.constant 0 : i32
      %dma_wait3A_54 = tpu.memref_slice %arg11[%mul3A_46, %dma_wait3A_53] : memref<10240x128xf32, #tpu.memory_space<vmem_shared>> -> memref<640x128xf32, #tpu.memory_space<vmem_shared>>
      tpu.wait_dma2 semaphore(%run_scoped3A : memref<!tpu.dma_semaphore, #tpu.memory_space<semaphore_mem>>) src(%dma_wait3A_54 : memref<640x128xf32, #tpu.memory_space<vmem_shared>>) dst(%dma_wait3A_52 : memref<640x128xf32, #tpu.memory_space<hbm>>)
      tpu.yield
    }) : () -> ()
    return
  }
}

module attributes {stable_mosaic.version = 14 : i64} {
  func.func @_edge_b_kernel(%arg0: i32, %arg1: memref<4000x16xf32, #tpu.memory_space<vmem>>, %arg2: memref<16x128xf32, #tpu.memory_space<vmem>>, %arg3: memref<4000x128xf32, #tpu.memory_space<vmem>>) attributes {dimension_semantics = [#tpu.dimension_semantics<arbitrary>], iteration_bounds = array<i64: 80>, scalar_prefetch = 0 : i64, scratch_operands = 0 : i64, tpu.core_type = #tpu.core_type<tc>, window_params = [{transform_indices = @transform_0, window_bounds = array<i64: 4000, 16>}, {pipeline_mode = #tpu.pipeline_mode<synchronous>, transform_indices = @transform_1, window_bounds = array<i64: 16, 128>}, {transform_indices = @transform_2, window_bounds = array<i64: 4000, 128>}]} {
    %get3A = arith.constant 0 : index
    %get3A_0 = arith.constant 0 : index
    %get3A_1 = vector.load %arg1[%get3A, %get3A_0] : memref<4000x16xf32, #tpu.memory_space<vmem>>, vector<4000x16xf32>
    %get3A_2 = arith.constant 0 : index
    %get3A_3 = arith.constant 0 : index
    %get3A_4 = vector.load %arg2[%get3A_2, %get3A_3] : memref<16x128xf32, #tpu.memory_space<vmem>>, vector<16x128xf32>
    %dot_general3A = arith.constant dense<0.000000e+00> : vector<4000x128xf32>
    %dot_general3A_5 = tpu.matmul %get3A_1, %get3A_4, %dot_general3A {dimension_numbers = #tpu.dot_dimension_numbers<[1], [0], [0], [1], [0, 0, 1, 1], [], []>, transpose_lhs_hint = false} : vector<4000x16xf32>, vector<16x128xf32>, vector<4000x128xf32> -> vector<4000x128xf32>
    %swap3A = arith.constant 0 : index
    %swap3A_6 = arith.constant 0 : index
    %swap3A_7 = vector.load %arg3[%swap3A, %swap3A_6] : memref<4000x128xf32, #tpu.memory_space<vmem>>, vector<4000x128xf32>
    tpu.vector_store %arg3[%swap3A, %swap3A_6], %dot_general3A_5 {strides = array<i32>} : memref<4000x128xf32, #tpu.memory_space<vmem>>, vector<4000x128xf32>,
    return
  }
  func.func @transform_0(%arg0: i32) -> (i32, i32) {
    %c0_i32 = arith.constant 0 : i32
    %c0_i32_0 = arith.constant 0 : i32
    return %arg0, %c0_i32 : i32, i32
  }
  func.func @transform_1(%arg0: i32) -> (i32, i32) {
    %c0_i32 = arith.constant 0 : i32
    %c0_i32_0 = arith.constant 0 : i32
    %c0_i32_1 = arith.constant 0 : i32
    return %c0_i32, %c0_i32_0 : i32, i32
  }
  func.func @transform_2(%arg0: i32) -> (i32, i32) {
    %c0_i32 = arith.constant 0 : i32
    %c0_i32_0 = arith.constant 0 : i32
    return %arg0, %c0_i32 : i32, i32
  }
}

module attributes {stable_mosaic.version = 14 : i64} {
  func.func @_node_g_kernel(%arg0: memref<10000x128xf32, #tpu.memory_space<vmem>>, %arg1: memref<128x128xf32, #tpu.memory_space<vmem>>, %arg2: memref<10000x128xf32, #tpu.memory_space<vmem>>) attributes {dimension_semantics = [], scalar_prefetch = 0 : i64, scratch_operands = 0 : i64, tpu.core_type = #tpu.core_type<tc>} {
    %get3A = arith.constant 0 : index
    %get3A_0 = arith.constant 0 : index
    %get3A_1 = vector.load %arg0[%get3A, %get3A_0] : memref<10000x128xf32, #tpu.memory_space<vmem>>, vector<10000x128xf32>
    %get3A_2 = arith.constant 0 : index
    %get3A_3 = arith.constant 0 : index
    %get3A_4 = vector.load %arg1[%get3A_2, %get3A_3] : memref<128x128xf32, #tpu.memory_space<vmem>>, vector<128x128xf32>
    %dot_general3A = arith.constant dense<0.000000e+00> : vector<10000x128xf32>
    %dot_general3A_5 = tpu.matmul %get3A_1, %get3A_4, %dot_general3A {dimension_numbers = #tpu.dot_dimension_numbers<[1], [0], [0], [1], [0, 0, 1, 1], [], []>, transpose_lhs_hint = false} : vector<10000x128xf32>, vector<128x128xf32>, vector<10000x128xf32> -> vector<10000x128xf32>
    %swap3A = arith.constant 0 : index
    %swap3A_6 = arith.constant 0 : index
    %swap3A_7 = vector.load %arg2[%swap3A, %swap3A_6] : memref<10000x128xf32, #tpu.memory_space<vmem>>, vector<10000x128xf32>
    tpu.vector_store %arg2[%swap3A, %swap3A_6], %dot_general3A_5 {strides = array<i32>} : memref<10000x128xf32, #tpu.memory_space<vmem>>, vector<10000x128xf32>,
    return
  }
}

module attributes {stable_mosaic.version = 14 : i64} {
  func.func @_final_kernel(%arg0: i32, %arg1: memref<2000x128xf32, #tpu.memory_space<vmem>>, %arg2: memref<2x2000x128xf32, #tpu.memory_space<vmem>>, %arg3: memref<256x128xf32, #tpu.memory_space<vmem>>, %arg4: memref<2000x128xf32, #tpu.memory_space<vmem>>) attributes {dimension_semantics = [#tpu.dimension_semantics<arbitrary>], iteration_bounds = array<i64: 5>, scalar_prefetch = 0 : i64, scratch_operands = 0 : i64, tpu.core_type = #tpu.core_type<tc>, window_params = [{transform_indices = @transform_0, window_bounds = array<i64: 2000, 128>}, {transform_indices = @transform_1, window_bounds = array<i64: 2, 2000, 128>}, {pipeline_mode = #tpu.pipeline_mode<synchronous>, transform_indices = @transform_2, window_bounds = array<i64: 256, 128>}, {transform_indices = @transform_3, window_bounds = array<i64: 2000, 128>}]} {
    %get3A = arith.constant 0 : index
    %get3A_0 = arith.constant 0 : index
    %get3A_1 = arith.constant 0 : index
    %get3A_2 = vector.load %arg2[%get3A, %get3A_0, %get3A_1] : memref<2x2000x128xf32, #tpu.memory_space<vmem>>, vector<1x2000x128xf32>
    %get3A_3 = vector.shape_cast %get3A_2 : vector<1x2000x128xf32> to vector<2000x128xf32>
    %get3A_4 = arith.constant 1 : index
    %get3A_5 = arith.constant 0 : index
    %get3A_6 = arith.constant 0 : index
    %get3A_7 = vector.load %arg2[%get3A_4, %get3A_5, %get3A_6] : memref<2x2000x128xf32, #tpu.memory_space<vmem>>, vector<1x2000x128xf32>
    %get3A_8 = vector.shape_cast %get3A_7 : vector<1x2000x128xf32> to vector<2000x128xf32>
    %add3A = arith.addf %get3A_3, %get3A_8 : vector<2000x128xf32>
    %get3A_9 = arith.constant 0 : index
    %get3A_10 = arith.constant 0 : index
    %get3A_11 = vector.load %arg1[%get3A_9, %get3A_10] : memref<2000x128xf32, #tpu.memory_space<vmem>>, vector<2000x128xf32>
    %get3A_12 = arith.constant 0 : index
    %get3A_13 = arith.constant 0 : index
    %get3A_14 = vector.load %arg3[%get3A_12, %get3A_13] : memref<256x128xf32, #tpu.memory_space<vmem>>, vector<128x128xf32>
    %dot_general3A = arith.constant dense<0.000000e+00> : vector<2000x128xf32>
    %dot_general3A_15 = tpu.matmul %get3A_11, %get3A_14, %dot_general3A {dimension_numbers = #tpu.dot_dimension_numbers<[1], [0], [0], [1], [0, 0, 1, 1], [], []>, transpose_lhs_hint = false} : vector<2000x128xf32>, vector<128x128xf32>, vector<2000x128xf32> -> vector<2000x128xf32>
    %get3A_16 = arith.constant 128 : index
    %get3A_17 = arith.constant 0 : index
    %get3A_18 = vector.load %arg3[%get3A_16, %get3A_17] : memref<256x128xf32, #tpu.memory_space<vmem>>, vector<128x128xf32>
    %dot_general3A_19 = arith.constant dense<0.000000e+00> : vector<2000x128xf32>
    %dot_general3A_20 = tpu.matmul %add3A, %get3A_18, %dot_general3A_19 {dimension_numbers = #tpu.dot_dimension_numbers<[1], [0], [0], [1], [0, 0, 1, 1], [], []>, transpose_lhs_hint = false} : vector<2000x128xf32>, vector<128x128xf32>, vector<2000x128xf32> -> vector<2000x128xf32>
    %add3A_21 = arith.addf %dot_general3A_15, %dot_general3A_20 : vector<2000x128xf32>
    %max3A = arith.constant 0.000000e+00 : f32
    %max3A_22 = vector.broadcast %max3A : f32 to vector<2000x128xf32>
    %max3A_23 = arith.maximumf %add3A_21, %max3A_22 : vector<2000x128xf32>
    %get3A_24 = arith.constant 0 : index
    %get3A_25 = arith.constant 0 : index
    %get3A_26 = vector.load %arg1[%get3A_24, %get3A_25] : memref<2000x128xf32, #tpu.memory_space<vmem>>, vector<2000x128xf32>
    %add3A_27 = arith.addf %max3A_23, %get3A_26 : vector<2000x128xf32>
    %swap3A = arith.constant 0 : index
    %swap3A_28 = arith.constant 0 : index
    %swap3A_29 = vector.load %arg4[%swap3A, %swap3A_28] : memref<2000x128xf32, #tpu.memory_space<vmem>>, vector<2000x128xf32>
    tpu.vector_store %arg4[%swap3A, %swap3A_28], %add3A_27 {strides = array<i32>} : memref<2000x128xf32, #tpu.memory_space<vmem>>, vector<2000x128xf32>,
    return
  }
  func.func @transform_0(%arg0: i32) -> (i32, i32) {
    %c0_i32 = arith.constant 0 : i32
    %c0_i32_0 = arith.constant 0 : i32
    return %arg0, %c0_i32 : i32, i32
  }
  func.func @transform_1(%arg0: i32) -> (i32, i32, i32) {
    %c0_i32 = arith.constant 0 : i32
    %c0_i32_0 = arith.constant 0 : i32
    %c0_i32_1 = arith.constant 0 : i32
    return %c0_i32, %arg0, %c0_i32_0 : i32, i32, i32
  }
  func.func @transform_2(%arg0: i32) -> (i32, i32) {
    %c0_i32 = arith.constant 0 : i32
    %c0_i32_0 = arith.constant 0 : i32
    %c0_i32_1 = arith.constant 0 : i32
    return %c0_i32, %c0_i32_0 : i32, i32
  }
  func.func @transform_3(%arg0: i32) -> (i32, i32) {
    %c0_i32 = arith.constant 0 : i32
    %c0_i32_0 = arith.constant 0 : i32
    return %arg0, %c0_i32 : i32, i32
  }
}

</mosaic_0001>

<sc_bundles>
// kernel: kernel.6.cloned.1.call-start
scs
__scs_entry_jumppad:
0x0: {  	(pc) =	sbr.rel $0x88, $3  }
0x1: {  	(tag) =	ssettag $0x0;
	lr =	simm.s32 $0x1  }
0x2: {  	[smem:$0x3F9C] =	sst lr;
	_ =	strace $0xD0000000  }
0x3: {  	_ = 	snop  }
0x4: {  	_ = 	snop  }
0x5: {  	_ = 	snop  }
0x6: {  	_ = 	snop  }
0x7: {  	_ = 	snop  }
__scs_overlays_trampoline_lowered:
0x8: {  	[smem:$0x3FAB] =	sst s0  }
0x9: {  	[smem:$0x3FAC] =	sst s1  }
0xa: {  	[smem:$0x3FAD] =	sst s2  }
0xb: {  	[smem:$0x3FAE] =	sst s3  }
0xc: {  	[smem:$0x3FAF] =	sst s4  }
0xd: {  	[smem:$0x3FB0] =	sst s5  }
0xe: {  	[smem:$0x3FB1] =	sst s6  }
0xf: {  	[smem:$0x3FB2] =	sst s7  }
0x10: {  	[smem:$0x3FB3] =	sst s8  }
0x11: {  	[smem:$0x3FB4] =	sst s9;
	s0 =	simm.s32 @!p0 $0x0  }
0x12: {  	s1 =	sld [smem:$0x3F9A];
	s0 =	simm.s32 @p0 $0x1  }
0x13: {  	[smem:$0x3FB5] =	sst s0;
	s0 =	simm.s32 @!p1 $0x0  }
0x14: {  	s2 =	sld [smem:$0x3F99];
	s0 =	simm.s32 @p1 $0x1  }
0x15: {  	[smem:$0x3FB6] =	sst s0;
	s0 =	simm.s32 @!p2 $0x0  }
0x16: {  	s3 =	sld [smem:$0x3FDB];
	s0 =	simm.s32 @p2 $0x1  }
0x17: {  	s4 =	simm.s32 $0x1BF5;
	[smem:$0x3FB8] =	sst s0  }
0x18: {  	s0 =	sld [smem:$0x3F9B];
	_ =	swait.ge [sflag:s4], $0x0  }
0x19: {  	s7 =	sld [smem:$0x3F9C]  }
0x1a: {  	s8 =	sadd.s32 $0xFFFFE003, lr  }
0x1b: {  	s9 =	sadd.s32 $0xFFFFFEF7, lr;
	s5 =	simm.s32 $0xFFFFFFFF;
	p2 =	slt.u32 s8, $0xFFFFF086  }
0x1c: {  	p1 =	slt.u32 s9, $0xF7A;
	s5 =	simm.s32 @!p2 $0x0  }
0x1d: {  	s5 =	simm.s32 @p1 $0x1;
	p0 =	seq.s32 s7, s2  }
0x1e: {  	s7 =	smul.u32 @!p0 $0xF7A, s2;
	p2 =	seq.s32 @!p0 s5, $0x0  }
0x1f: {  	s9 =	smul.u32 $0xF7A, s1;
	s8 =	simm.s32 @!p0 $0x1BF5;
	p2 =	por !p2, p0  }
0x20: {  	[sflag:s8] =	ssyncset.s32 @!p0 $0xFFFFF086;
	s6 =	sadd.s32 @!p0 s3, s7;
	s7 =	simm.s32 @!p0 $0x108  }
0x21: {  	s3 =	sadd.s32 s3, s9;
	s6 =	sadd.s32 @!p0 $0x88, s6;
	s7 =	simm.s32 @p2 $0x1082  }
0x22: {  	[simem:s7], [sflag:s8] =	dma.local @!p0 [hbm:s6], $0xF7A  }
0x23: {  	s9 =	sor.u32 $0xD0000000, s2;
	s6 =	simm.s32 $0x108;
	_ =	swait.ge @!p0 [sflag:s8], $0x0  }
0x24: {  	s3 =	sadd.s32 $0x88, s3;
	s6 =	simm.s32 @!p1 $0x1082;
	[sflag:s4] =	ssyncset.s32 $0xFFFFF086  }
0x25: {  	[simem:s6], [sflag:s4] =	dma.local [hbm:s3], $0xF7A  }
0x26: {  	[smem:$0x3F9C] =	sst s1;
	(tag) =	ssettag s2;
	_ =	strace s9  }
0x27: {  	s1 =	sld [smem:$0x3FAC]  }
0x28: {  	s2 =	sld [smem:$0x3FAD]  }
0x29: {  	s4 =	sld [smem:$0x3FAF]  }
0x2a: {  	p0 =	seq.s32 s5, $0x0;
	s5 =	sld [smem:$0x3FB0]  }
0x2b: {  	s6 =	sld [smem:$0x3FB1]  }
0x2c: {  	s7 =	sld [smem:$0x3FB2]  }
0x2d: {  	s3 =	simm.s32 $0x108;
	s8 =	sld [smem:$0x3FB3]  }
0x2e: {  	s3 =	simm.s32 @!p0 $0x1082;
	s9 =	sld [smem:$0x3FB4]  }
0x2f: {  	lr =	sadd.s32 s0, s3;
	s0 =	sld [smem:$0x3FAB]  }
0x30: {  	s3 =	sld [smem:$0x3FAE]  }
0x31: {  	[smem:$0x3FB7] =	sst s10  }
0x32: {  	s10 =	sld [smem:$0x3FB5];
	_ =	sdelay $0x3  }
0x33: {  	p0 =	seq.s32 s10, $0x1;
	s10 =	sld [smem:$0x3FB7];
	_ =	sdelay $0x3  }
0x34: {  	[smem:$0x3FB7] =	sst s10  }
0x35: {  	s10 =	sld [smem:$0x3FB6];
	_ =	sdelay $0x3  }
0x36: {  	p1 =	seq.s32 s10, $0x1;
	s10 =	sld [smem:$0x3FB7];
	_ =	sdelay $0x3  }
0x37: {  	[smem:$0x3FB7] =	sst s10  }
0x38: {  	s10 =	sld [smem:$0x3FB8]  }
0x39: {  	_ = 	snop;
	(pc) =	sbr.ind lr, $3  }
0x3a: {  	_ = 	snop  }
0x3b: {  	_ = 	snop  }
0x3c: {  	p2 =	seq.s32 s10, $0x1;
	s10 =	sld [smem:$0x3FB7]  }
0x3d: {  	_ =	shalt  }
0x3e: {  	_ =	shalt  }
0x3f: {  	_ =	shalt  }
0x40: {  	_ =	shalt  }
0x41: {  	_ =	shalt  }
0x42: {  	_ =	shalt  }
0x43: {  	_ =	shalt  }
0x44: {  	_ =	shalt  }
0x45: {  	_ =	shalt  }
0x46: {  	_ =	shalt  }
0x47: {  	_ =	shalt  }
0x48: {  	_ =	shalt  }
0x49: {  	_ =	shalt  }
0x4a: {  	_ =	shalt  }
0x4b: {  	_ =	shalt  }
0x4c: {  	_ =	shalt  }
0x4d: {  	_ =	shalt  }
0x4e: {  	_ =	shalt  }
0x4f: {  	_ =	shalt  }
0x50: {  	_ =	shalt  }
0x51: {  	_ =	shalt  }
0x52: {  	_ =	shalt  }
0x53: {  	_ =	shalt  }
0x54: {  	_ =	shalt  }
0x55: {  	_ =	shalt  }
0x56: {  	_ =	shalt  }
0x57: {  	_ =	shalt  }
0x58: {  	_ =	shalt  }
0x59: {  	_ =	shalt  }
0x5a: {  	_ =	shalt  }
0x5b: {  	_ =	shalt  }
0x5c: {  	_ =	shalt  }
0x5d: {  	_ =	shalt  }
0x5e: {  	_ =	shalt  }
0x5f: {  	_ =	shalt  }
0x60: {  	_ =	shalt  }
0x61: {  	_ =	shalt  }
0x62: {  	_ =	shalt  }
0x63: {  	_ =	shalt  }
0x64: {  	_ =	shalt  }
0x65: {  	_ =	shalt  }
0x66: {  	_ =	shalt  }
0x67: {  	_ =	shalt  }
0x68: {  	_ =	shalt  }
0x69: {  	_ =	shalt  }
0x6a: {  	_ =	shalt  }
0x6b: {  	_ =	shalt  }
0x6c: {  	_ =	shalt  }
0x6d: {  	_ =	shalt  }
0x6e: {  	_ =	shalt  }
0x6f: {  	_ =	shalt  }
0x70: {  	_ =	shalt  }
0x71: {  	_ =	shalt  }
0x72: {  	_ =	shalt  }
0x73: {  	_ =	shalt  }
0x74: {  	_ =	shalt  }
0x75: {  	_ =	shalt  }
0x76: {  	_ =	shalt  }
0x77: {  	_ =	shalt  }
0x78: {  	_ =	shalt  }
0x79: {  	_ =	shalt  }
0x7a: {  	_ =	shalt  }
0x7b: {  	_ =	shalt  }
0x7c: {  	_ =	shalt  }
0x7d: {  	_ =	shalt  }
0x7e: {  	_ =	shalt  }
0x7f: {  	_ =	shalt  }
0x80: {  	_ =	shalt  }
0x81: {  	_ =	shalt  }
0x82: {  	_ =	shalt  }
0x83: {  	_ =	shalt  }
0x84: {  	_ =	shalt  }
0x85: {  	_ =	shalt  }
0x86: {  	_ =	shalt  }
0x87: {  	_ =	shalt  }
.Lfunc_end0:
.L_simem_size_0:
called_computation_lowered:
.L_overlay_start_0:
0x88: {  	s2 =	sld [smem:$0x3FD9]  }
0x89: {  	s3 =	sld [smem:$0x3FFE];
	_ =	sdelay $0x1  }
0x8a: {  	s1 =	srdreg.scid  }
0x8b: {  	s0 =	sand.u32 $0x1, s1  }
0x8c: {  	s17 =	sshll.u32 s0, $0xA;
	s2 =	sadd.s32 s3, s2  }
0x8d: {  	s2 =	sadd.s32 s2, s17  }
0x8e: {  	[smem:$0x3FC3] =	sst s2  }
0x8f: {  	_ = 	snop  }
0x90: {  	s2 =	sld [smem:$0x3FD0];
	(tm) =	ssettm $0x1  }
0x91: {  	s18 =	sld [smem:$0x3FFB];
	_ =	sdelay $0x3  }
0x92: {  	_ =	strace s18  }
0x93: {  	s3 =	sld [smem:$0x3FFC];
	_ =	sdelay $0x3  }
0x94: {  	_ =	strace s3  }
0x95: {  	s3 =	sld [smem:$0x3FFD];
	_ =	sdelay $0x3  }
0x96: {  	_ =	strace s3  }
0x97: {  	_ =	strace $0x8FFFFFFF  }
0x98: {  	s19 =	sld [smem:$0x3FDB];
	_ =	sdelay $0x1  }
0x99: {  	s4 =	simm.s32 $_scs_section_size  }
0x9a: {  	s5 =	simm.s32 $_size__tile_overlayer_lowered;
	s6 =	simm.s32 $_tile_overlayer_lowered  }
0x9b: {  	s22 =	simm.s32 $0x1BFF;
	s21 =	sshll.u32 s6, $0x1;
	s3 =	sadd.s32 s4, s19  }
0x9c: {  	s7 =	simm.s32 $0x0;
	s20 =	sshll.u32 s5, $0x1;
	s5 =	sadd.s32 s21, s3  }
0x9d: {  	[timem:s7], [sflag:s22] =	dma.local [hbm:s5], s20  }
0x9e: {  	_ =	swait.ge [sflag:s22], s20  }
0x9f: {  	s4 =	ssub.s32 $0x0, s20;
	[sflag:s22] =	ssyncset.done $0x0  }
0xa0: {  	[sflag:s22] =	ssyncadd.s32 s4;
	_ =	sdelay $0x1  }
0xa1: {  	s23 =	simm.s32 $0x1B8B  }
0xa2: {  	_ =	swait.ge [sflag:s23], $0x1  }
0xa3: {  	[sflag:s23] =	ssyncset.done $0x0  }
0xa4: {  	s25 =	simm.s32 $0x1B8E;
	s24 =	sld [smem:$0x3FFE];
	[sflag:s23] =	ssyncadd.s32 $0xFFFFFFFF  }
0xa5: {  	s26 =	simm.s32 $execute0_lowered;
	[smem:$0x3FD2] =	sst s25  }
0xa6: {  	s5 =	sshll.u32 s26, $0x1;
	_ =	strace $0x80000046;
	[dreg:$0x1] =	wrdreg $0xFFFFFFFF  }
0xa7: {  	s28 =	simm.s32 $_size_execute0_lowered;
	s3 =	sadd.s32 s3, s5;
	[dreg:$0x0] =	wrdreg $0x0  }
0xa8: {  	s5 =	sshll.u32 s28, $0x1;
	[dreg:$0x2] =	wrdreg s3  }
0xa9: {  	[dreg:$0x3] =	wrdreg s5  }
0xaa: {  	[dreg:$0x4] =	wrdreg $0xC0  }
0xab: {  	_ =	task [dreg:s7], $0x5FFFF  }
0xac: {  	[dreg:$0x1] =	wrdreg $0xFFFFFFFF  }
0xad: {  	[dreg:$0x0] =	wrdreg $0x60  }
0xae: {  	[dreg:$0x2] =	wrdreg s24  }
0xaf: {  	[dreg:$0x3] =	wrdreg s2  }
0xb0: {  	[dreg:$0x4] =	wrdreg $0x51000  }
0xb1: {  	[dreg:$0x5] =	wrdreg $0x9  }
0xb2: {  	_ =	task.clear_ibuf [dreg:s7], $0x6FFFF;
	_ =	strace $0x90000046  }
0xb3: {  	s29 =	simm.s32 $0x9;
	_ =	strace $0x80000048  }
0xb4: {  	_ =	swait.ge [sflag:s29], $0x1  }
0xb5: {  	[sflag:s29] =	ssyncadd.s32 $0xFFFFFFFF  }
0xb6: {  	_ =	strace $0x90000048  }
0xb7: {  	_ =	sfence  }
0xb8: {  	s30 =	sld [smem:$0x0];
	_ =	sdelay $0x2  }
0xb9: {  	s31 =	sshll.u32 s1, $0xD;
	s1 =	sshrl.u32 s1, $0x2  }
0xba: {  	s3 =	sand.u32 $0x4000, s31;
	s1 =	sadd.s32 s1, s30  }
0xbb: {  	s0 =	sor.u32 s3, s0;
	s1 =	sshll.u32 s1, $0x11  }
0xbc: {  	s0 =	sor.u32 s1, s0  }
0xbd: {  	s0 =	sadd.s32 $0x8F2B, s0  }
0xbe: {  	[sflag:s0] =	ssyncadd.remote.s32 $0x1  }
0xbf: {  	_ =	sfence.sel $0xFFFF  }
0xc0: {  	[dreg:$0x0] =	wrdreg $0xFFFFFFFF;
	(pc) =	sbr.abs _section_cstart, $3  }
0xc1: {  	[dreg:$0x1] =	wrdreg $0xFFFFFFFF  }
0xc2: {  	_ =	task.clear_ibuf [dreg:s7], $0x2FFFF;
	_ =	strace $0x9FFFFFFF  }
0xc3: {  	(tm) =	ssettm $0x7FFFFFFF  }
tec
execute0_lowered:
.L_overlay_start_1:
0x0: {  	(tag) =	ssettag $0x1  }
0x1: {  	s8 =	rddreg [dreg:$0x0]  }
0x2: {  	s1 =	rddreg [dreg:$0x1]  }
0x3: {  	s2 =	rddreg [dreg:$0x2]  }
0x4: {  	s3 =	srdreg.scid;
	s0 =	rddreg [dreg:$0x3];
	s4 =	simm.s32 $0x0  }
0x5: {  	s19 =	simm.s32 $0x100;
	s20 =	simm.s32 $0x2;
	s21 =	simm.s32 $0x80  }
0x6: {  	s22 =	simm.s32 $0x50;
	s23 =	simm.s32 $0x2900;
	s9 =	sand.u32 $0x1, s3  }
0x7: {  	s24 =	simm.s32 $0x1;
	s3 =	stileid.u32;
	s6 =	smul.u32 $0x140000, s9  }
0x8: {  	[smem:$0x7FF] =	sst s4;
	s5 =	sadd.s32 $0xA800, s8;
	s7 =	smul.u32 $0x14000, s3  }
0x9: {  	_ =	strace $0x80000047;
	s29 =	ssub.s32 $0x2, s9;
	s12 =	sshll.u32 s3, $0x1  }
0xa: {  	s11 =	smul.u32 $0x50000, s3;
	s31 =	sshrl.u32 s29, $0x1;
	s16 =	sor.u32 s9, s12  }
0xb: {  	s10 =	sadd.s32 s7, s6;
	s6 =	sadd.s32 $0xA00, s8;
	s7 =	sadd.s32 $0x4F6600, s8  }
0xc: {  	s30 =	sshrl.u32 s11, $0x2;
	s18 =	ssub.s32 s29, s31;
	s10 =	sshrl.u32 s10, $0x3  }
0xd: {  	s16 =	smul.u32 $0x2710, s16;
	s17 =	sadd.s32 s10, s8;
	s8 =	sadd.s32 s30, s2  }
0xe: {  	s18 =	smax.u32 s18, $0x1;
	s9 =	sadd.s32 $0x2800, s8;
	s10 =	sadd.s32 $0x5000, s8  }
0xf: {  	s11 =	sadd.s32 $0x7800, s8;
	s12 =	sadd.s32 $0xA000, s8;
	s13 =	sadd.s32 $0xC800, s8  }
0x10: {  	v0 =	vimm.f32 $0.0e+00;
	s14 =	sadd.s32 $0xF000, s8;
	s15 =	sadd.s32 $0x11800, s8;
	s17 =	sadd.s32 $0x14600, s17  }
.LBB2_1:
0x11: {  	s25 =	simm.s32 $0x0;
	s26 =	simm.s32 $0x200  }
.LBB2_2:
0x12: {  	p0 =	sne.s32 s26, $0x9E00;
	[tilespmem:s25+$0x170] =	vst v0  }
0x13: {  	[tilespmem:s25+$0x100] =	vst v0  }
0x14: {  	[tilespmem:s25+$0x110] =	vst v0  }
.Ltmp0:
0x15: {  	[tilespmem:s25+$0x120] =	vst v0;
	(pc) =	sbr.rel @p0 .LBB2_2-.Ltmp0, $4  }
0x16: {  	[tilespmem:s25+$0x130] =	vst v0  }
0x17: {  	[tilespmem:s25+$0x140] =	vst v0  }
0x18: {  	[tilespmem:s25+$0x150] =	vst v0  }
0x19: {  	[tilespmem:s25+$0x160] =	vst v0;
	s25 =	sshra.s32 s26, $0x2;
	s26 =	sadd.s32 $0x200, s26  }
0x1a: {  	[tilespmem:s25+$0x170] =	vst v0  }
0x1b: {  	[tilespmem:s25+$0x100] =	vst v0  }
0x1c: {  	[tilespmem:s25+$0x110] =	vst v0  }
0x1d: {  	[tilespmem:s25+$0x120] =	vst v0  }
0x1e: {  	[tilespmem:s25+$0x130] =	vst v0  }
0x1f: {  	[tilespmem:s25+$0x140] =	vst v0  }
0x20: {  	[tilespmem:s25+$0x150] =	vst v0  }
0x21: {  	[tilespmem:s25+$0x160] =	vst v0  }
0x22: {  	[spmem:s8] =	stream.linear.scatter [tilespmem:s19], [sflag:$0x2], $0x2800, $0x38;
	[tilespmem:$0x19100] =	vst v63  }
0x23: {  	_ =	swait.ge [sflag:s20], $0x2800  }
0x24: {  	[sflag:s20] =	ssyncset.done $0x0  }
0x25: {  	[sflag:s20] =	ssyncadd.s32 $0xFFFFD800  }
0x26: {  	[spmem:s9] =	stream.linear.scatter [tilespmem:s19], [sflag:$0x2], $0x2800, $0x38;
	[tilespmem:$0x19100] =	vst v63  }
0x27: {  	_ =	swait.ge [sflag:s20], $0x2800  }
0x28: {  	[sflag:s20] =	ssyncset.done $0x0  }
0x29: {  	[sflag:s20] =	ssyncadd.s32 $0xFFFFD800  }
0x2a: {  	[spmem:s10] =	stream.linear.scatter [tilespmem:s19], [sflag:$0x2], $0x2800, $0x38;
	[tilespmem:$0x19100] =	vst v63  }
0x2b: {  	_ =	swait.ge [sflag:s20], $0x2800  }
0x2c: {  	[sflag:s20] =	ssyncset.done $0x0  }
0x2d: {  	[sflag:s20] =	ssyncadd.s32 $0xFFFFD800  }
0x2e: {  	[spmem:s11] =	stream.linear.scatter [tilespmem:s19], [sflag:$0x2], $0x2800, $0x38;
	[tilespmem:$0x19100] =	vst v63  }
0x2f: {  	_ =	swait.ge [sflag:s20], $0x2800  }
0x30: {  	[sflag:s20] =	ssyncset.done $0x0  }
0x31: {  	[sflag:s20] =	ssyncadd.s32 $0xFFFFD800  }
0x32: {  	[spmem:s12] =	stream.linear.scatter [tilespmem:s19], [sflag:$0x2], $0x2800, $0x38;
	[tilespmem:$0x19100] =	vst v63  }
0x33: {  	_ =	swait.ge [sflag:s20], $0x2800  }
0x34: {  	[sflag:s20] =	ssyncset.done $0x0  }
0x35: {  	[sflag:s20] =	ssyncadd.s32 $0xFFFFD800  }
0x36: {  	[spmem:s13] =	stream.linear.scatter [tilespmem:s19], [sflag:$0x2], $0x2800, $0x38;
	[tilespmem:$0x19100] =	vst v63  }
0x37: {  	_ =	swait.ge [sflag:s20], $0x2800  }
0x38: {  	[sflag:s20] =	ssyncset.done $0x0  }
0x39: {  	[sflag:s20] =	ssyncadd.s32 $0xFFFFD800  }
0x3a: {  	[spmem:s14] =	stream.linear.scatter [tilespmem:s19], [sflag:$0x2], $0x2800, $0x38;
	[tilespmem:$0x19100] =	vst v63  }
0x3b: {  	_ =	swait.ge [sflag:s20], $0x2800  }
0x3c: {  	[sflag:s20] =	ssyncset.done $0x0  }
0x3d: {  	[sflag:s20] =	ssyncadd.s32 $0xFFFFD800  }
0x3e: {  	[spmem:s15] =	stream.linear.scatter [tilespmem:s19], [sflag:$0x2], $0x2800, $0x38;
	[tilespmem:$0x19100] =	vst v63  }
0x3f: {  	_ =	swait.ge [sflag:s20], $0x2800  }
0x40: {  	[sflag:s20] =	ssyncset.done $0x0  }
0x41: {  	[sflag:s20] =	ssyncadd.s32 $0xFFFFD800  }
0x42: {  	s25 =	simm.s32 $0x0;
	s26 =	simm.s32 $0x0;
	[bflag:$0x0] =	sbarrier.arrive $0xFFFF  }
.LBB2_4:
0x43: {  	s28 =	smul.u32 $0x50, s26;
	_ =	sdelay $0x1  }
0x44: {  	s28 =	sadd.s32 s16, s28  }
0x45: {  	s29 =	sshrl.u32 s28, $0x3  }
0x46: {  	s30 =	sadd.s32 s5, s29  }
0x47: {  	[tilespmem:s25], [sflag:$0x2] =	stream.linear.gather [hbm4b:s30+s25], $0x50, $0x38;
	[tilespmem:$0x19100] =	vst v63  }
0x48: {  	_ =	swait.ge [sflag:s20], $0x50  }
0x49: {  	[sflag:s20] =	ssyncset.done $0x0  }
0x4a: {  	s29 =	sadd.s32 s6, s29;
	[sflag:s20] =	ssyncadd.s32 $0xFFFFFFB0  }
0x4b: {  	[tilespmem:s21], [sflag:$0x2] =	stream.linear.gather [hbm4b:s29+s25], $0x50, $0x38;
	[tilespmem:$0x19100] =	vst v63  }
0x4c: {  	_ =	swait.ge [sflag:s20], $0x50  }
0x4d: {  	[sflag:s20] =	ssyncset.done $0x0  }
0x4e: {  	s28 =	sshll.u32 s28, $0x4;
	[sflag:s20] =	ssyncadd.s32 $0xFFFFFFB0  }
0x4f: {  	[tilespmem:s19], [sflag:$0x1] =	stream.indirect.gather [hbm4b:s1+s22], $0x80, s25, s22, $0xb8;
	[tilespmem:$0x19100] =	vst v63  }
0x50: {  	s28 =	sadd.s32 s7, s28  }
0x51: {  	[tilespmem:s23], [sflag:$0x2] =	stream.linear.gather [hbm4b:s28+s25], $0x2800, $0x38;
	[tilespmem:$0x19100] =	vst v63  }
0x52: {  	_ =	swait.ge [sflag:s20], $0x2800  }
0x53: {  	[sflag:s20] =	ssyncset.done $0x0  }
0x54: {  	[sflag:s20] =	ssyncadd.s32 $0xFFFFD800  }
0x55: {  	_ =	swait.ge [sflag:s24], $0x2800  }
0x56: {  	[sflag:s24] =	ssyncset.done $0x0  }
0x57: {  	s28 =	simm.s32 $0x0;
	[sflag:s24] =	ssyncadd.s32 $0xFFFFD800  }
0x58: {  	v7 =	vld [tilespmem:s28+$0x2900]  }
0x59: {  	v12 =	vld [tilespmem:s28+$0x2910]  }
0x5a: {  	v6 =	vld [tilespmem:s28+$0x2920]  }
0x5b: {  	v5 =	vld [tilespmem:s28+$0x2930]  }
0x5c: {  	v4 =	vld [tilespmem:s28+$0x2940]  }
0x5d: {  	v3 =	vld [tilespmem:s28+$0x2950]  }
0x5e: {  	v2 =	vld [tilespmem:s28+$0x2960]  }
0x5f: {  	v1 =	vld [tilespmem:s28+$0x2970]  }
0x60: {  	v13 =	vld [tilespmem:s28+$0x100]  }
0x61: {  	v14 =	vld [tilespmem:s28+$0x110]  }
0x62: {  	v11 =	vld [tilespmem:s28+$0x120]  }
0x63: {  	v10 =	vld [tilespmem:s28+$0x130]  }
0x64: {  	v9 =	vld [tilespmem:s28+$0x140]  }
0x65: {  	v8 =	vld [tilespmem:s28+$0x150];
	v13 =	vadd.f32 v7, v13  }
0x66: {  	s29 =	simm.s32 $0x200;
	v12 =	vadd.f32 v12, v14;
	v7 =	vld [tilespmem:s28+$0x160]  }
.LBB2_5:
0x67: {  	s30 =	sshra.s32 s29, $0x2;
	p0 =	sne.s32 s29, $0x9E00;
	v13 =	vmax.f32 v13, $0.0e+00;
	v6 =	vadd.f32 v6, v11;
	v11 =	vld [tilespmem:s28+$0x170]  }
0x68: {  	v14 =	vld [tilespmem:s30+$0x2900];
	[tilespmem:s28+$0x100] =	vst v13;
	v12 =	vmax.f32 v12, $0.0e+00;
	v5 =	vadd.f32 v5, v10  }
0x69: {  	v15 =	vld [tilespmem:s30+$0x2910];
	[tilespmem:s28+$0x110] =	vst v12;
	v10 =	vmax.f32 v6, $0.0e+00;
	v4 =	vadd.f32 v4, v9  }
0x6a: {  	v6 =	vld [tilespmem:s30+$0x2920];
	[tilespmem:s28+$0x120] =	vst v10;
	v9 =	vmax.f32 v5, $0.0e+00;
	v3 =	vadd.f32 v3, v8  }
0x6b: {  	v5 =	vld [tilespmem:s30+$0x2930];
	[tilespmem:s28+$0x130] =	vst v9;
	v8 =	vmax.f32 v4, $0.0e+00;
	v2 =	vadd.f32 v2, v7  }
0x6c: {  	v4 =	vld [tilespmem:s30+$0x2940];
	[tilespmem:s28+$0x140] =	vst v8;
	v7 =	vmax.f32 v3, $0.0e+00;
	v1 =	vadd.f32 v1, v11  }
0x6d: {  	v3 =	vld [tilespmem:s30+$0x2950];
	[tilespmem:s28+$0x150] =	vst v7;
	v7 =	vmax.f32 v2, $0.0e+00  }
0x6e: {  	v2 =	vld [tilespmem:s30+$0x2960];
	[tilespmem:s28+$0x160] =	vst v7;
	v7 =	vmax.f32 v1, $0.0e+00  }
0x6f: {  	v1 =	vld [tilespmem:s30+$0x2970];
	[tilespmem:s28+$0x170] =	vst v7;
	s28 =	smov.u32 s30  }
0x70: {  	v7 =	vld [tilespmem:s28+$0x100]  }
0x71: {  	v12 =	vld [tilespmem:s28+$0x110]  }
.Ltmp1:
0x72: {  	v11 =	vld [tilespmem:s28+$0x120];
	(pc) =	sbr.rel @p0 .LBB2_5-.Ltmp1, $4  }
0x73: {  	v10 =	vld [tilespmem:s28+$0x130]  }
0x74: {  	v9 =	vld [tilespmem:s28+$0x140]  }
0x75: {  	v13 =	vadd.f32 v14, v7;
	v8 =	vld [tilespmem:s28+$0x150]  }
0x76: {  	s29 =	sadd.s32 $0x200, s29;
	v12 =	vadd.f32 v15, v12;
	v7 =	vld [tilespmem:s28+$0x160]  }
0x77: {  	v13 =	vmax.f32 v13, $0.0e+00;
	v6 =	vadd.f32 v6, v11;
	v63 =	vld [tilespmem:s28+$0x170]  }
0x78: {  	[tilespmem:s28+$0x100] =	vst v13;
	v12 =	vmax.f32 v12, $0.0e+00;
	v5 =	vadd.f32 v5, v10  }
0x79: {  	[tilespmem:s28+$0x110] =	vst v12;
	v6 =	vmax.f32 v6, $0.0e+00;
	v4 =	vadd.f32 v4, v9  }
0x7a: {  	[tilespmem:s28+$0x120] =	vst v6;
	v5 =	vmax.f32 v5, $0.0e+00;
	v3 =	vadd.f32 v3, v8  }
0x7b: {  	[tilespmem:s28+$0x130] =	vst v5;
	v4 =	vmax.f32 v4, $0.0e+00;
	v2 =	vadd.f32 v2, v7  }
0x7c: {  	[tilespmem:s28+$0x140] =	vst v4;
	v3 =	vmax.f32 v3, $0.0e+00;
	v1 =	vadd.f32 v1, v63  }
0x7d: {  	s26 =	sadd.s32 $0x1, s26;
	[tilespmem:s28+$0x150] =	vst v3;
	v2 =	vmax.f32 v2, $0.0e+00  }
0x7e: {  	p0 =	sne.s32 s26, $0x7D;
	[tilespmem:s28+$0x160] =	vst v2;
	v1 =	vmax.f32 v1, $0.0e+00  }
.Ltmp2:
0x7f: {  	[tilespmem:s28+$0x170] =	vst v1;
	(pc) =	sbr.rel @p0 .LBB2_4-.Ltmp2, $4  }
0x80: {  	[spmem:s2] =	stream.indirect.scatter.add.f32 [tilespmem:s19], [sflag:$0x2], $0x80, s21, s22, $0xb8;
	[tilespmem:$0x19100] =	vst v63  }
0x81: {  	_ =	swait.ge [sflag:s20], $0x2800  }
0x82: {  	[sflag:s20] =	ssyncset.done $0x0  }
0x83: {  	[sflag:s20] =	ssyncadd.s32 $0xFFFFD800  }
0x84: {  	s4 =	sadd.s32 $0x1, s4  }
0x85: {  	s25 =	sshll.u32 s3, $0x6;
	[bflag:$0x0] =	sbarrier.arrive $0xFFFF;
	p0 =	sne.s32 s4, s18  }
.Ltmp3:
0x86: {  	s26 =	sshrl.u32 s8, $0x3;
	s25 =	sor.u32 $0x1C02, s25;
	(pc) =	sbr.rel @p0 .LBB2_1-.Ltmp3, $4  }
0x87: {  	[hbm:s17], [sflag:s25] =	dma.local [spmem:s26], $0x2800  }
0x88: {  	_ =	swait.ge [sflag:s20], $0x2800  }
0x89: {  	[sflag:s20] =	ssyncset.done $0x0  }
0x8a: {  	[sflag:s20] =	ssyncadd.s32 $0xFFFFD800  }
0x8b: {  	_ =	sfence.sel $0x180000  }
0x8c: {  	[bflag:$0x0] =	sbarrier.arrive $0xFFFF  }
0x8d: {  	p0 =	sne.s32 s3, $0x0;
	_ =	strace $0x90000047  }
0x8e: {  	s0 =	sadd.s32 @!p0 $0x100000, s0;
	[bflag:$0x2] =	sbarrier.arrive $0xFFFF  }
0x8f: {  	[sflag:s0] =	ssyncadd.tile.s32 @!p0 $0x1;
	_ =	shalt  }
.Lfunc_end2:
_tile_overlayer_lowered:
.L_overlay_start_2:
0x90: {  	(tag) =	ssettag $0x2  }
0x91: {  	s0 =	rddreg [dreg:$0x0];
	s2 =	stileid.u32  }
0x92: {  	s1 =	rddreg [dreg:$0x1];
	p0 =	sne.s32 s2, $0x0  }
0x93: {  	s3 =	rddreg [dreg:$0x2];
	[bflag:$0x3] =	sbarrier.arrive $0xFFFF;
	s2 =	simm.s32 @!p0 $0x1C02  }
0x94: {  	[timem:s3], [sflag:s2] =	dma.local @!p0 [hbm:s0], s1  }
0x95: {  	s0 =	simm.s32 @!p0 $0x2  }
0x96: {  	_ =	swait.ge @!p0 [sflag:s0], s1  }
0x97: {  	s1 =	ssub.s32 @!p0 $0x0, s1;
	[sflag:s0] =	ssyncset.done @!p0 $0x0  }
0x98: {  	[sflag:s0] =	ssyncadd.s32 @!p0 s1  }
0x99: {  	[bflag:$0x3] =	sbarrier.arrive $0xFFFF  }
0x9a: {  	_ =	shalt  }

</sc_bundles>
